<compile_context>
chip_gen: v7x
topology: tpu7x:2x2x1
jax: 0.10.2.dev20260603
libtpu: 0.0.44.dev20260713+nightly
codegen_flags: <defaults>
</compile_context>

<pallas_src>
import functools

import jax
import jax.numpy as jnp
from jax import lax
from jax.experimental import pallas as pl
from jax.experimental.pallas import tpu as pltpu
from jax.experimental.pallas import tpu_sc as plsc

_info = plsc.get_sparse_core_info()
_NC, _NS = _info.num_cores, _info.num_subcores
_NW = _NC * _NS

_CH = 32
_NBUF = 2


def _make_sc_broadcast(B, T, D, dtype):
    rows_per_w = T // _NW
    chunks = rows_per_w // _CH
    mesh = plsc.VectorSubcoreMesh(core_axis_name="c", subcore_axis_name="s")

    @functools.partial(
        pl.kernel,
        mesh=mesh,
        out_type=jax.ShapeDtypeStruct((B, T, D), dtype),
        scratch_types=[
            pltpu.VMEM((_NBUF, _CH, D), dtype),
            pltpu.SemaphoreType.DMA,
            pltpu.SemaphoreType.DMA,
        ],
    )
    def sc_broadcast(table_hbm, out_hbm, buf, rsem, wsem):
        wid = lax.axis_index("s") * _NC + lax.axis_index("c")
        base = wid * rows_per_w

        def rd(i):
            r0 = base + i * _CH
            return pltpu.make_async_copy(
                table_hbm.at[pl.ds(r0, _CH)], buf.at[i % _NBUF], rsem
            )

        def wr(i, b):
            r0 = base + i * _CH
            return pltpu.make_async_copy(
                buf.at[i % _NBUF], out_hbm.at[b, pl.ds(r0, _CH)], wsem
            )

        rd(0).start()
        for i in range(chunks):
            rd(i).wait()
            if i >= _NBUF - 1:
                for b in range(B):
                    wr(i - (_NBUF - 1), b).wait()
            if i + 1 < chunks:
                rd(i + 1).start()
            for b in range(B):
                wr(i, b).start()
        for i in range(chunks - _NBUF + 1, chunks):
            for b in range(B):
                wr(i, b).wait()

    return sc_broadcast


def kernel(x, pos_table):
    B, T, D = x.shape
    return _make_sc_broadcast(B, T, D, pos_table.dtype)(pos_table)

# --- scband reference (transcript-rebuilt; emitter-appended) ---
"""Pipeline reference for scband-positional-embeddings-82154134438649 (READ-ONLY COPY).

The authoritative reference and input builder live on the scoring server;
editing this copy changes nothing except your own understanding.
"""

import jax, jax.numpy as jnp
import numpy as np

B, T, D = 4, 4096, 1024

def setup_inputs(seed: int = 0) -> dict:
    key = jax.random.key(seed)
    kx, kw = jax.random.split(key)
    x = jax.random.normal(kx, (B, T, D), dtype=jnp.float32)
    # learned positional embedding table: [num_tokens, embedding_dim]
    pos_table = jax.random.normal(kw, (T, D), dtype=jnp.float32) * 0.02
    return {"x": x, "pos_table": pos_table}

def reference(x, pos_table):
    # positions = arange(0, num_tokens)
    positions = jnp.arange(0, x.shape[1], 1)
    # embedding lookup (gather)
    emb = jnp.take(pos_table, positions, axis=0)  # [T, D]
    # broadcast to input shape [B, T, D] (module returns the broadcast embeddings,
    # not inputs + embeddings, faithful to the original call())
    return jnp.broadcast_to(emb, x.shape)

if __name__ == "__main__":
    import jax
    _d = setup_inputs()
    print(jax.jit(kernel)(*tuple(_d.values())))

</pallas_src>

<mosaic_0001>
#map = affine_map<(d0, d1) -> (0, 0)>
#map1 = affine_map<(d0, d1) -> (0, 0, 0)>
module attributes {stable_mosaic.version = 14 : i64} {
  func.func @sc_broadcast(%arg0: i32, %arg1: i32, %arg2: memref<4096x1024xf32, #tpu.memory_space<hbm>>, %arg3: memref<4x4096x1024xf32, #tpu.memory_space<hbm>>, %arg4: memref<2x32x1024xf32, #tpu.memory_space<vmem>>, %arg5: memref<!tpu.dma_semaphore, #tpu.memory_space<semaphore_mem>>, %arg6: memref<!tpu.dma_semaphore, #tpu.memory_space<semaphore_mem>>) attributes {dimension_semantics = [#tpu.dimension_semantics<core_parallel>, #tpu.dimension_semantics<subcore_parallel>], iteration_bounds = array<i64: 2, 16>, scalar_prefetch = 0 : i64, scratch_operands = 3 : i64, tpu.core_type = #tpu.core_type<sc_vector_subcore>, window_params = [{transform_indices = #map}, {transform_indices = #map1}]} {
    %mul3A = arith.constant 2 : i32
    %mul3A_0 = arith.muli %arg1, %mul3A : i32
    %add3A = arith.addi %mul3A_0, %arg0 : i32
    %mul3A_1 = arith.constant 128 : i32
    %mul3A_2 = arith.muli %add3A, %mul3A_1 : i32
    %add3A_3 = arith.constant 0 : i32
    %add3A_4 = arith.addi %mul3A_2, %add3A_3 : i32
    %dma_start3A = arith.constant 0 : i32
    %dma_start3A_5 = arith.constant 0 : i32
    %dma_start3A_6 = arith.constant 0 : i32
    %dma_start3A_7 = tpu.memref_slice %arg4[%dma_start3A, %dma_start3A_5, %dma_start3A_6] : memref<2x32x1024xf32, #tpu.memory_space<vmem>> -> memref<1x32x1024xf32, #tpu.memory_space<vmem>>
    %dma_start3A_8 = tpu.memref_squeeze %dma_start3A_7 : memref<1x32x1024xf32, #tpu.memory_space<vmem>> -> memref<32x1024xf32, #tpu.memory_space<vmem>>
    %dma_start3A_9 = arith.constant 0 : i32
    %dma_start3A_10 = tpu.memref_slice %arg2[%add3A_4, %dma_start3A_9] : memref<4096x1024xf32, #tpu.memory_space<hbm>> -> memref<32x1024xf32, #tpu.memory_space<hbm>>
    %dma_start3A_11 = arith.constant 0 : i32
    %dma_start3A_12 = arith.constant 0 : i32
    %dma_start3A_13 = tpu.memref_slice %arg4[%dma_start3A, %dma_start3A_11, %dma_start3A_12] : memref<2x32x1024xf32, #tpu.memory_space<vmem>> -> memref<1x32x1024xf32, #tpu.memory_space<vmem>>
    %dma_start3A_14 = tpu.memref_squeeze %dma_start3A_13 : memref<1x32x1024xf32, #tpu.memory_space<vmem>> -> memref<32x1024xf32, #tpu.memory_space<vmem>>
    %dma_start3A_15 = arith.constant 0 : i32
    %dma_start3A_16 = tpu.memref_slice %arg2[%add3A_4, %dma_start3A_15] : memref<4096x1024xf32, #tpu.memory_space<hbm>> -> memref<32x1024xf32, #tpu.memory_space<hbm>>
    tpu.enqueue_dma source(%dma_start3A_16 : memref<32x1024xf32, #tpu.memory_space<hbm>>) target(%dma_start3A_14 : memref<32x1024xf32, #tpu.memory_space<vmem>>) target_semaphore(%arg5 : memref<!tpu.dma_semaphore, #tpu.memory_space<semaphore_mem>>)
    %add3A_17 = arith.constant 0 : i32
    %add3A_18 = arith.addi %mul3A_2, %add3A_17 : i32
    %dma_wait3A = arith.constant 0 : i32
    %dma_wait3A_19 = arith.constant 0 : i32
    %dma_wait3A_20 = arith.constant 0 : i32
    %dma_wait3A_21 = tpu.memref_slice %arg4[%dma_wait3A, %dma_wait3A_19, %dma_wait3A_20] : memref<2x32x1024xf32, #tpu.memory_space<vmem>> -> memref<1x32x1024xf32, #tpu.memory_space<vmem>>
    %dma_wait3A_22 = tpu.memref_squeeze %dma_wait3A_21 : memref<1x32x1024xf32, #tpu.memory_space<vmem>> -> memref<32x1024xf32, #tpu.memory_space<vmem>>
    %dma_wait3A_23 = arith.constant 0 : i32
    %dma_wait3A_24 = tpu.memref_slice %arg2[%add3A_18, %dma_wait3A_23] : memref<4096x1024xf32, #tpu.memory_space<hbm>> -> memref<32x1024xf32, #tpu.memory_space<hbm>>
    %dma_wait3A_25 = arith.constant 0 : i32
    %dma_wait3A_26 = arith.constant 0 : i32
    %dma_wait3A_27 = tpu.memref_slice %arg4[%dma_wait3A, %dma_wait3A_25, %dma_wait3A_26] : memref<2x32x1024xf32, #tpu.memory_space<vmem>> -> memref<1x32x1024xf32, #tpu.memory_space<vmem>>
    %dma_wait3A_28 = tpu.memref_squeeze %dma_wait3A_27 : memref<1x32x1024xf32, #tpu.memory_space<vmem>> -> memref<32x1024xf32, #tpu.memory_space<vmem>>
    %dma_wait3A_29 = arith.constant 0 : i32
    %dma_wait3A_30 = tpu.memref_slice %arg2[%add3A_18, %dma_wait3A_29] : memref<4096x1024xf32, #tpu.memory_space<hbm>> -> memref<32x1024xf32, #tpu.memory_space<hbm>>
    tpu.wait_dma2 semaphore(%arg5 : memref<!tpu.dma_semaphore, #tpu.memory_space<semaphore_mem>>) src(%dma_wait3A_30 : memref<32x1024xf32, #tpu.memory_space<hbm>>) dst(%dma_wait3A_28 : memref<32x1024xf32, #tpu.memory_space<vmem>>)
    %add3A_31 = arith.constant 32 : i32
    %add3A_32 = arith.addi %mul3A_2, %add3A_31 : i32
    %dma_start3A_33 = arith.constant 1 : i32
    %dma_start3A_34 = arith.constant 0 : i32
    %dma_start3A_35 = arith.constant 0 : i32
    %dma_start3A_36 = tpu.memref_slice %arg4[%dma_start3A_33, %dma_start3A_34, %dma_start3A_35] : memref<2x32x1024xf32, #tpu.memory_space<vmem>> -> memref<1x32x1024xf32, #tpu.memory_space<vmem>>
    %dma_start3A_37 = tpu.memref_squeeze %dma_start3A_36 : memref<1x32x1024xf32, #tpu.memory_space<vmem>> -> memref<32x1024xf32, #tpu.memory_space<vmem>>
    %dma_start3A_38 = arith.constant 0 : i32
    %dma_start3A_39 = tpu.memref_slice %arg2[%add3A_32, %dma_start3A_38] : memref<4096x1024xf32, #tpu.memory_space<hbm>> -> memref<32x1024xf32, #tpu.memory_space<hbm>>
    %dma_start3A_40 = arith.constant 0 : i32
    %dma_start3A_41 = arith.constant 0 : i32
    %dma_start3A_42 = tpu.memref_slice %arg4[%dma_start3A_33, %dma_start3A_40, %dma_start3A_41] : memref<2x32x1024xf32, #tpu.memory_space<vmem>> -> memref<1x32x1024xf32, #tpu.memory_space<vmem>>
    %dma_start3A_43 = tpu.memref_squeeze %dma_start3A_42 : memref<1x32x1024xf32, #tpu.memory_space<vmem>> -> memref<32x1024xf32, #tpu.memory_space<vmem>>
    %dma_start3A_44 = arith.constant 0 : i32
    %dma_start3A_45 = tpu.memref_slice %arg2[%add3A_32, %dma_start3A_44] : memref<4096x1024xf32, #tpu.memory_space<hbm>> -> memref<32x1024xf32, #tpu.memory_space<hbm>>
    tpu.enqueue_dma source(%dma_start3A_45 : memref<32x1024xf32, #tpu.memory_space<hbm>>) target(%dma_start3A_43 : memref<32x1024xf32, #tpu.memory_space<vmem>>) target_semaphore(%arg5 : memref<!tpu.dma_semaphore, #tpu.memory_space<semaphore_mem>>)
    %add3A_46 = arith.constant 0 : i32
    %add3A_47 = arith.addi %mul3A_2, %add3A_46 : i32
    %dma_start3A_48 = arith.constant 0 : i32
    %dma_start3A_49 = arith.constant 0 : i32
    %dma_start3A_50 = arith.constant 0 : i32
    %dma_start3A_51 = arith.constant 0 : i32
    %dma_start3A_52 = tpu.memref_slice %arg4[%dma_start3A_48, %dma_start3A_50, %dma_start3A_51] : memref<2x32x1024xf32, #tpu.memory_space<vmem>> -> memref<1x32x1024xf32, #tpu.memory_space<vmem>>
    %dma_start3A_53 = tpu.memref_squeeze %dma_start3A_52 : memref<1x32x1024xf32, #tpu.memory_space<vmem>> -> memref<32x1024xf32, #tpu.memory_space<vmem>>
    %dma_start3A_54 = arith.constant 0 : i32
    %dma_start3A_55 = tpu.memref_slice %arg3[%dma_start3A_49, %add3A_47, %dma_start3A_54] : memref<4x4096x1024xf32, #tpu.memory_space<hbm>> -> memref<1x32x1024xf32, #tpu.memory_space<hbm>>
    %dma_start3A_56 = tpu.memref_squeeze %dma_start3A_55 : memref<1x32x1024xf32, #tpu.memory_space<hbm>> -> memref<32x1024xf32, #tpu.memory_space<hbm>>
    %dma_start3A_57 = arith.constant 0 : i32
    %dma_start3A_58 = tpu.memref_slice %arg3[%dma_start3A_49, %add3A_47, %dma_start3A_57] : memref<4x4096x1024xf32, #tpu.memory_space<hbm>> -> memref<1x32x1024xf32, #tpu.memory_space<hbm>>
    %dma_start3A_59 = tpu.memref_squeeze %dma_start3A_58 : memref<1x32x1024xf32, #tpu.memory_space<hbm>> -> memref<32x1024xf32, #tpu.memory_space<hbm>>
    %dma_start3A_60 = arith.constant 0 : i32
    %dma_start3A_61 = arith.constant 0 : i32
    %dma_start3A_62 = tpu.memref_slice %arg4[%dma_start3A_48, %dma_start3A_60, %dma_start3A_61] : memref<2x32x1024xf32, #tpu.memory_space<vmem>> -> memref<1x32x1024xf32, #tpu.memory_space<vmem>>
    %dma_start3A_63 = tpu.memref_squeeze %dma_start3A_62 : memref<1x32x1024xf32, #tpu.memory_space<vmem>> -> memref<32x1024xf32, #tpu.memory_space<vmem>>
    tpu.enqueue_dma source(%dma_start3A_63 : memref<32x1024xf32, #tpu.memory_space<vmem>>) target(%dma_start3A_59 : memref<32x1024xf32, #tpu.memory_space<hbm>>) target_semaphore(%arg6 : memref<!tpu.dma_semaphore, #tpu.memory_space<semaphore_mem>>)
    %add3A_64 = arith.constant 0 : i32
    %add3A_65 = arith.addi %mul3A_2, %add3A_64 : i32
    %dma_start3A_66 = arith.constant 0 : i32
    %dma_start3A_67 = arith.constant 1 : i32
    %dma_start3A_68 = arith.constant 0 : i32
    %dma_start3A_69 = arith.constant 0 : i32
    %dma_start3A_70 = tpu.memref_slice %arg4[%dma_start3A_66, %dma_start3A_68, %dma_start3A_69] : memref<2x32x1024xf32, #tpu.memory_space<vmem>> -> memref<1x32x1024xf32, #tpu.memory_space<vmem>>
    %dma_start3A_71 = tpu.memref_squeeze %dma_start3A_70 : memref<1x32x1024xf32, #tpu.memory_space<vmem>> -> memref<32x1024xf32, #tpu.memory_space<vmem>>
    %dma_start3A_72 = arith.constant 0 : i32
    %dma_start3A_73 = tpu.memref_slice %arg3[%dma_start3A_67, %add3A_65, %dma_start3A_72] : memref<4x4096x1024xf32, #tpu.memory_space<hbm>> -> memref<1x32x1024xf32, #tpu.memory_space<hbm>>
    %dma_start3A_74 = tpu.memref_squeeze %dma_start3A_73 : memref<1x32x1024xf32, #tpu.memory_space<hbm>> -> memref<32x1024xf32, #tpu.memory_space<hbm>>
    %dma_start3A_75 = arith.constant 0 : i32
    %dma_start3A_76 = tpu.memref_slice %arg3[%dma_start3A_67, %add3A_65, %dma_start3A_75] : memref<4x4096x1024xf32, #tpu.memory_space<hbm>> -> memref<1x32x1024xf32, #tpu.memory_space<hbm>>
    %dma_start3A_77 = tpu.memref_squeeze %dma_start3A_76 : memref<1x32x1024xf32, #tpu.memory_space<hbm>> -> memref<32x1024xf32, #tpu.memory_space<hbm>>
    %dma_start3A_78 = arith.constant 0 : i32
    %dma_start3A_79 = arith.constant 0 : i32
    %dma_start3A_80 = tpu.memref_slice %arg4[%dma_start3A_66, %dma_start3A_78, %dma_start3A_79] : memref<2x32x1024xf32, #tpu.memory_space<vmem>> -> memref<1x32x1024xf32, #tpu.memory_space<vmem>>
    %dma_start3A_81 = tpu.memref_squeeze %dma_start3A_80 : memref<1x32x1024xf32, #tpu.memory_space<vmem>> -> memref<32x1024xf32, #tpu.memory_space<vmem>>
    tpu.enqueue_dma source(%dma_start3A_81 : memref<32x1024xf32, #tpu.memory_space<vmem>>) target(%dma_start3A_77 : memref<32x1024xf32, #tpu.memory_space<hbm>>) target_semaphore(%arg6 : memref<!tpu.dma_semaphore, #tpu.memory_space<semaphore_mem>>)
    %add3A_82 = arith.constant 0 : i32
    %add3A_83 = arith.addi %mul3A_2, %add3A_82 : i32
    %dma_start3A_84 = arith.constant 0 : i32
    %dma_start3A_85 = arith.constant 2 : i32
    %dma_start3A_86 = arith.constant 0 : i32
    %dma_start3A_87 = arith.constant 0 : i32
    %dma_start3A_88 = tpu.memref_slice %arg4[%dma_start3A_84, %dma_start3A_86, %dma_start3A_87] : memref<2x32x1024xf32, #tpu.memory_space<vmem>> -> memref<1x32x1024xf32, #tpu.memory_space<vmem>>
    %dma_start3A_89 = tpu.memref_squeeze %dma_start3A_88 : memref<1x32x1024xf32, #tpu.memory_space<vmem>> -> memref<32x1024xf32, #tpu.memory_space<vmem>>
    %dma_start3A_90 = arith.constant 0 : i32
    %dma_start3A_91 = tpu.memref_slice %arg3[%dma_start3A_85, %add3A_83, %dma_start3A_90] : memref<4x4096x1024xf32, #tpu.memory_space<hbm>> -> memref<1x32x1024xf32, #tpu.memory_space<hbm>>
    %dma_start3A_92 = tpu.memref_squeeze %dma_start3A_91 : memref<1x32x1024xf32, #tpu.memory_space<hbm>> -> memref<32x1024xf32, #tpu.memory_space<hbm>>
    %dma_start3A_93 = arith.constant 0 : i32
    %dma_start3A_94 = tpu.memref_slice %arg3[%dma_start3A_85, %add3A_83, %dma_start3A_93] : memref<4x4096x1024xf32, #tpu.memory_space<hbm>> -> memref<1x32x1024xf32, #tpu.memory_space<hbm>>
    %dma_start3A_95 = tpu.memref_squeeze %dma_start3A_94 : memref<1x32x1024xf32, #tpu.memory_space<hbm>> -> memref<32x1024xf32, #tpu.memory_space<hbm>>
    %dma_start3A_96 = arith.constant 0 : i32
    %dma_start3A_97 = arith.constant 0 : i32
    %dma_start3A_98 = tpu.memref_slice %arg4[%dma_start3A_84, %dma_start3A_96, %dma_start3A_97] : memref<2x32x1024xf32, #tpu.memory_space<vmem>> -> memref<1x32x1024xf32, #tpu.memory_space<vmem>>
    %dma_start3A_99 = tpu.memref_squeeze %dma_start3A_98 : memref<1x32x1024xf32, #tpu.memory_space<vmem>> -> memref<32x1024xf32, #tpu.memory_space<vmem>>
    tpu.enqueue_dma source(%dma_start3A_99 : memref<32x1024xf32, #tpu.memory_space<vmem>>) target(%dma_start3A_95 : memref<32x1024xf32, #tpu.memory_space<hbm>>) target_semaphore(%arg6 : memref<!tpu.dma_semaphore, #tpu.memory_space<semaphore_mem>>)
    %add3A_100 = arith.constant 0 : i32
    %add3A_101 = arith.addi %mul3A_2, %add3A_100 : i32
    %dma_start3A_102 = arith.constant 0 : i32
    %dma_start3A_103 = arith.constant 3 : i32
    %dma_start3A_104 = arith.constant 0 : i32
    %dma_start3A_105 = arith.constant 0 : i32
    %dma_start3A_106 = tpu.memref_slice %arg4[%dma_start3A_102, %dma_start3A_104, %dma_start3A_105] : memref<2x32x1024xf32, #tpu.memory_space<vmem>> -> memref<1x32x1024xf32, #tpu.memory_space<vmem>>
    %dma_start3A_107 = tpu.memref_squeeze %dma_start3A_106 : memref<1x32x1024xf32, #tpu.memory_space<vmem>> -> memref<32x1024xf32, #tpu.memory_space<vmem>>
    %dma_start3A_108 = arith.constant 0 : i32
    %dma_start3A_109 = tpu.memref_slice %arg3[%dma_start3A_103, %add3A_101, %dma_start3A_108] : memref<4x4096x1024xf32, #tpu.memory_space<hbm>> -> memref<1x32x1024xf32, #tpu.memory_space<hbm>>
    %dma_start3A_110 = tpu.memref_squeeze %dma_start3A_109 : memref<1x32x1024xf32, #tpu.memory_space<hbm>> -> memref<32x1024xf32, #tpu.memory_space<hbm>>
    %dma_start3A_111 = arith.constant 0 : i32
    %dma_start3A_112 = tpu.memref_slice %arg3[%dma_start3A_103, %add3A_101, %dma_start3A_111] : memref<4x4096x1024xf32, #tpu.memory_space<hbm>> -> memref<1x32x1024xf32, #tpu.memory_space<hbm>>
    %dma_start3A_113 = tpu.memref_squeeze %dma_start3A_112 : memref<1x32x1024xf32, #tpu.memory_space<hbm>> -> memref<32x1024xf32, #tpu.memory_space<hbm>>
    %dma_start3A_114 = arith.constant 0 : i32
    %dma_start3A_115 = arith.constant 0 : i32
    %dma_start3A_116 = tpu.memref_slice %arg4[%dma_start3A_102, %dma_start3A_114, %dma_start3A_115] : memref<2x32x1024xf32, #tpu.memory_space<vmem>> -> memref<1x32x1024xf32, #tpu.memory_space<vmem>>
    %dma_start3A_117 = tpu.memref_squeeze %dma_start3A_116 : memref<1x32x1024xf32, #tpu.memory_space<vmem>> -> memref<32x1024xf32, #tpu.memory_space<vmem>>
    tpu.enqueue_dma source(%dma_start3A_117 : memref<32x1024xf32, #tpu.memory_space<vmem>>) target(%dma_start3A_113 : memref<32x1024xf32, #tpu.memory_space<hbm>>) target_semaphore(%arg6 : memref<!tpu.dma_semaphore, #tpu.memory_space<semaphore_mem>>)
    %add3A_118 = arith.constant 32 : i32
    %add3A_119 = arith.addi %mul3A_2, %add3A_118 : i32
    %dma_wait3A_120 = arith.constant 1 : i32
    %dma_wait3A_121 = arith.constant 0 : i32
    %dma_wait3A_122 = arith.constant 0 : i32
    %dma_wait3A_123 = tpu.memref_slice %arg4[%dma_wait3A_120, %dma_wait3A_121, %dma_wait3A_122] : memref<2x32x1024xf32, #tpu.memory_space<vmem>> -> memref<1x32x1024xf32, #tpu.memory_space<vmem>>
    %dma_wait3A_124 = tpu.memref_squeeze %dma_wait3A_123 : memref<1x32x1024xf32, #tpu.memory_space<vmem>> -> memref<32x1024xf32, #tpu.memory_space<vmem>>
    %dma_wait3A_125 = arith.constant 0 : i32
    %dma_wait3A_126 = tpu.memref_slice %arg2[%add3A_119, %dma_wait3A_125] : memref<4096x1024xf32, #tpu.memory_space<hbm>> -> memref<32x1024xf32, #tpu.memory_space<hbm>>
    %dma_wait3A_127 = arith.constant 0 : i32
    %dma_wait3A_128 = arith.constant 0 : i32
    %dma_wait3A_129 = tpu.memref_slice %arg4[%dma_wait3A_120, %dma_wait3A_127, %dma_wait3A_128] : memref<2x32x1024xf32, #tpu.memory_space<vmem>> -> memref<1x32x1024xf32, #tpu.memory_space<vmem>>
    %dma_wait3A_130 = tpu.memref_squeeze %dma_wait3A_129 : memref<1x32x1024xf32, #tpu.memory_space<vmem>> -> memref<32x1024xf32, #tpu.memory_space<vmem>>
    %dma_wait3A_131 = arith.constant 0 : i32
    %dma_wait3A_132 = tpu.memref_slice %arg2[%add3A_119, %dma_wait3A_131] : memref<4096x1024xf32, #tpu.memory_space<hbm>> -> memref<32x1024xf32, #tpu.memory_space<hbm>>
    tpu.wait_dma2 semaphore(%arg5 : memref<!tpu.dma_semaphore, #tpu.memory_space<semaphore_mem>>) src(%dma_wait3A_132 : memref<32x1024xf32, #tpu.memory_space<hbm>>) dst(%dma_wait3A_130 : memref<32x1024xf32, #tpu.memory_space<vmem>>)
    %add3A_133 = arith.constant 0 : i32
    %add3A_134 = arith.addi %mul3A_2, %add3A_133 : i32
    %dma_wait3A_135 = arith.constant 0 : i32
    %dma_wait3A_136 = arith.constant 0 : i32
    %dma_wait3A_137 = arith.constant 0 : i32
    %dma_wait3A_138 = arith.constant 0 : i32
    %dma_wait3A_139 = tpu.memref_slice %arg4[%dma_wait3A_135, %dma_wait3A_137, %dma_wait3A_138] : memref<2x32x1024xf32, #tpu.memory_space<vmem>> -> memref<1x32x1024xf32, #tpu.memory_space<vmem>>
    %dma_wait3A_140 = tpu.memref_squeeze %dma_wait3A_139 : memref<1x32x1024xf32, #tpu.memory_space<vmem>> -> memref<32x1024xf32, #tpu.memory_space<vmem>>
    %dma_wait3A_141 = arith.constant 0 : i32
    %dma_wait3A_142 = tpu.memref_slice %arg3[%dma_wait3A_136, %add3A_134, %dma_wait3A_141] : memref<4x4096x1024xf32, #tpu.memory_space<hbm>> -> memref<1x32x1024xf32, #tpu.memory_space<hbm>>
    %dma_wait3A_143 = tpu.memref_squeeze %dma_wait3A_142 : memref<1x32x1024xf32, #tpu.memory_space<hbm>> -> memref<32x1024xf32, #tpu.memory_space<hbm>>
    %dma_wait3A_144 = arith.constant 0 : i32
    %dma_wait3A_145 = tpu.memref_slice %arg3[%dma_wait3A_136, %add3A_134, %dma_wait3A_144] : memref<4x4096x1024xf32, #tpu.memory_space<hbm>> -> memref<1x32x1024xf32, #tpu.memory_space<hbm>>
    %dma_wait3A_146 = tpu.memref_squeeze %dma_wait3A_145 : memref<1x32x1024xf32, #tpu.memory_space<hbm>> -> memref<32x1024xf32, #tpu.memory_space<hbm>>
    %dma_wait3A_147 = arith.constant 0 : i32
    %dma_wait3A_148 = arith.constant 0 : i32
    %dma_wait3A_149 = tpu.memref_slice %arg4[%dma_wait3A_135, %dma_wait3A_147, %dma_wait3A_148] : memref<2x32x1024xf32, #tpu.memory_space<vmem>> -> memref<1x32x1024xf32, #tpu.memory_space<vmem>>
    %dma_wait3A_150 = tpu.memref_squeeze %dma_wait3A_149 : memref<1x32x1024xf32, #tpu.memory_space<vmem>> -> memref<32x1024xf32, #tpu.memory_space<vmem>>
    tpu.wait_dma2 semaphore(%arg6 : memref<!tpu.dma_semaphore, #tpu.memory_space<semaphore_mem>>) src(%dma_wait3A_150 : memref<32x1024xf32, #tpu.memory_space<vmem>>) dst(%dma_wait3A_146 : memref<32x1024xf32, #tpu.memory_space<hbm>>)
    %add3A_151 = arith.constant 0 : i32
    %add3A_152 = arith.addi %mul3A_2, %add3A_151 : i32
    %dma_wait3A_153 = arith.constant 0 : i32
    %dma_wait3A_154 = arith.constant 1 : i32
    %dma_wait3A_155 = arith.constant 0 : i32
    %dma_wait3A_156 = arith.constant 0 : i32
    %dma_wait3A_157 = tpu.memref_slice %arg4[%dma_wait3A_153, %dma_wait3A_155, %dma_wait3A_156] : memref<2x32x1024xf32, #tpu.memory_space<vmem>> -> memref<1x32x1024xf32, #tpu.memory_space<vmem>>
    %dma_wait3A_158 = tpu.memref_squeeze %dma_wait3A_157 : memref<1x32x1024xf32, #tpu.memory_space<vmem>> -> memref<32x1024xf32, #tpu.memory_space<vmem>>
    %dma_wait3A_159 = arith.constant 0 : i32
    %dma_wait3A_160 = tpu.memref_slice %arg3[%dma_wait3A_154, %add3A_152, %dma_wait3A_159] : memref<4x4096x1024xf32, #tpu.memory_space<hbm>> -> memref<1x32x1024xf32, #tpu.memory_space<hbm>>
    %dma_wait3A_161 = tpu.memref_squeeze %dma_wait3A_160 : memref<1x32x1024xf32, #tpu.memory_space<hbm>> -> memref<32x1024xf32, #tpu.memory_space<hbm>>
    %dma_wait3A_162 = arith.constant 0 : i32
    %dma_wait3A_163 = tpu.memref_slice %arg3[%dma_wait3A_154, %add3A_152, %dma_wait3A_162] : memref<4x4096x1024xf32, #tpu.memory_space<hbm>> -> memref<1x32x1024xf32, #tpu.memory_space<hbm>>
    %dma_wait3A_164 = tpu.memref_squeeze %dma_wait3A_163 : memref<1x32x1024xf32, #tpu.memory_space<hbm>> -> memref<32x1024xf32, #tpu.memory_space<hbm>>
    %dma_wait3A_165 = arith.constant 0 : i32
    %dma_wait3A_166 = arith.constant 0 : i32
    %dma_wait3A_167 = tpu.memref_slice %arg4[%dma_wait3A_153, %dma_wait3A_165, %dma_wait3A_166] : memref<2x32x1024xf32, #tpu.memory_space<vmem>> -> memref<1x32x1024xf32, #tpu.memory_space<vmem>>
    %dma_wait3A_168 = tpu.memref_squeeze %dma_wait3A_167 : memref<1x32x1024xf32, #tpu.memory_space<vmem>> -> memref<32x1024xf32, #tpu.memory_space<vmem>>
    tpu.wait_dma2 semaphore(%arg6 : memref<!tpu.dma_semaphore, #tpu.memory_space<semaphore_mem>>) src(%dma_wait3A_168 : memref<32x1024xf32, #tpu.memory_space<vmem>>) dst(%dma_wait3A_164 : memref<32x1024xf32, #tpu.memory_space<hbm>>)
    %add3A_169 = arith.constant 0 : i32
    %add3A_170 = arith.addi %mul3A_2, %add3A_169 : i32
    %dma_wait3A_171 = arith.constant 0 : i32
    %dma_wait3A_172 = arith.constant 2 : i32
    %dma_wait3A_173 = arith.constant 0 : i32
    %dma_wait3A_174 = arith.constant 0 : i32
    %dma_wait3A_175 = tpu.memref_slice %arg4[%dma_wait3A_171, %dma_wait3A_173, %dma_wait3A_174] : memref<2x32x1024xf32, #tpu.memory_space<vmem>> -> memref<1x32x1024xf32, #tpu.memory_space<vmem>>
    %dma_wait3A_176 = tpu.memref_squeeze %dma_wait3A_175 : memref<1x32x1024xf32, #tpu.memory_space<vmem>> -> memref<32x1024xf32, #tpu.memory_space<vmem>>
    %dma_wait3A_177 = arith.constant 0 : i32
    %dma_wait3A_178 = tpu.memref_slice %arg3[%dma_wait3A_172, %add3A_170, %dma_wait3A_177] : memref<4x4096x1024xf32, #tpu.memory_space<hbm>> -> memref<1x32x1024xf32, #tpu.memory_space<hbm>>
    %dma_wait3A_179 = tpu.memref_squeeze %dma_wait3A_178 : memref<1x32x1024xf32, #tpu.memory_space<hbm>> -> memref<32x1024xf32, #tpu.memory_space<hbm>>
    %dma_wait3A_180 = arith.constant 0 : i32
    %dma_wait3A_181 = tpu.memref_slice %arg3[%dma_wait3A_172, %add3A_170, %dma_wait3A_180] : memref<4x4096x1024xf32, #tpu.memory_space<hbm>> -> memref<1x32x1024xf32, #tpu.memory_space<hbm>>
    %dma_wait3A_182 = tpu.memref_squeeze %dma_wait3A_181 : memref<1x32x1024xf32, #tpu.memory_space<hbm>> -> memref<32x1024xf32, #tpu.memory_space<hbm>>
    %dma_wait3A_183 = arith.constant 0 : i32
    %dma_wait3A_184 = arith.constant 0 : i32
    %dma_wait3A_185 = tpu.memref_slice %arg4[%dma_wait3A_171, %dma_wait3A_183, %dma_wait3A_184] : memref<2x32x1024xf32, #tpu.memory_space<vmem>> -> memref<1x32x1024xf32, #tpu.memory_space<vmem>>
    %dma_wait3A_186 = tpu.memref_squeeze %dma_wait3A_185 : memref<1x32x1024xf32, #tpu.memory_space<vmem>> -> memref<32x1024xf32, #tpu.memory_space<vmem>>
    tpu.wait_dma2 semaphore(%arg6 : memref<!tpu.dma_semaphore, #tpu.memory_space<semaphore_mem>>) src(%dma_wait3A_186 : memref<32x1024xf32, #tpu.memory_space<vmem>>) dst(%dma_wait3A_182 : memref<32x1024xf32, #tpu.memory_space<hbm>>)
    %add3A_187 = arith.constant 0 : i32
    %add3A_188 = arith.addi %mul3A_2, %add3A_187 : i32
    %dma_wait3A_189 = arith.constant 0 : i32
    %dma_wait3A_190 = arith.constant 3 : i32
    %dma_wait3A_191 = arith.constant 0 : i32
    %dma_wait3A_192 = arith.constant 0 : i32
    %dma_wait3A_193 = tpu.memref_slice %arg4[%dma_wait3A_189, %dma_wait3A_191, %dma_wait3A_192] : memref<2x32x1024xf32, #tpu.memory_space<vmem>> -> memref<1x32x1024xf32, #tpu.memory_space<vmem>>
    %dma_wait3A_194 = tpu.memref_squeeze %dma_wait3A_193 : memref<1x32x1024xf32, #tpu.memory_space<vmem>> -> memref<32x1024xf32, #tpu.memory_space<vmem>>
    %dma_wait3A_195 = arith.constant 0 : i32
    %dma_wait3A_196 = tpu.memref_slice %arg3[%dma_wait3A_190, %add3A_188, %dma_wait3A_195] : memref<4x4096x1024xf32, #tpu.memory_space<hbm>> -> memref<1x32x1024xf32, #tpu.memory_space<hbm>>
    %dma_wait3A_197 = tpu.memref_squeeze %dma_wait3A_196 : memref<1x32x1024xf32, #tpu.memory_space<hbm>> -> memref<32x1024xf32, #tpu.memory_space<hbm>>
    %dma_wait3A_198 = arith.constant 0 : i32
    %dma_wait3A_199 = tpu.memref_slice %arg3[%dma_wait3A_190, %add3A_188, %dma_wait3A_198] : memref<4x4096x1024xf32, #tpu.memory_space<hbm>> -> memref<1x32x1024xf32, #tpu.memory_space<hbm>>
    %dma_wait3A_200 = tpu.memref_squeeze %dma_wait3A_199 : memref<1x32x1024xf32, #tpu.memory_space<hbm>> -> memref<32x1024xf32, #tpu.memory_space<hbm>>
    %dma_wait3A_201 = arith.constant 0 : i32
    %dma_wait3A_202 = arith.constant 0 : i32
    %dma_wait3A_203 = tpu.memref_slice %arg4[%dma_wait3A_189, %dma_wait3A_201, %dma_wait3A_202] : memref<2x32x1024xf32, #tpu.memory_space<vmem>> -> memref<1x32x1024xf32, #tpu.memory_space<vmem>>
    %dma_wait3A_204 = tpu.memref_squeeze %dma_wait3A_203 : memref<1x32x1024xf32, #tpu.memory_space<vmem>> -> memref<32x1024xf32, #tpu.memory_space<vmem>>
    tpu.wait_dma2 semaphore(%arg6 : memref<!tpu.dma_semaphore, #tpu.memory_space<semaphore_mem>>) src(%dma_wait3A_204 : memref<32x1024xf32, #tpu.memory_space<vmem>>) dst(%dma_wait3A_200 : memref<32x1024xf32, #tpu.memory_space<hbm>>)
    %add3A_205 = arith.constant 64 : i32
    %add3A_206 = arith.addi %mul3A_2, %add3A_205 : i32
    %dma_start3A_207 = arith.constant 0 : i32
    %dma_start3A_208 = arith.constant 0 : i32
    %dma_start3A_209 = arith.constant 0 : i32
    %dma_start3A_210 = tpu.memref_slice %arg4[%dma_start3A_207, %dma_start3A_208, %dma_start3A_209] : memref<2x32x1024xf32, #tpu.memory_space<vmem>> -> memref<1x32x1024xf32, #tpu.memory_space<vmem>>
    %dma_start3A_211 = tpu.memref_squeeze %dma_start3A_210 : memref<1x32x1024xf32, #tpu.memory_space<vmem>> -> memref<32x1024xf32, #tpu.memory_space<vmem>>
    %dma_start3A_212 = arith.constant 0 : i32
    %dma_start3A_213 = tpu.memref_slice %arg2[%add3A_206, %dma_start3A_212] : memref<4096x1024xf32, #tpu.memory_space<hbm>> -> memref<32x1024xf32, #tpu.memory_space<hbm>>
    %dma_start3A_214 = arith.constant 0 : i32
    %dma_start3A_215 = arith.constant 0 : i32
    %dma_start3A_216 = tpu.memref_slice %arg4[%dma_start3A_207, %dma_start3A_214, %dma_start3A_215] : memref<2x32x1024xf32, #tpu.memory_space<vmem>> -> memref<1x32x1024xf32, #tpu.memory_space<vmem>>
    %dma_start3A_217 = tpu.memref_squeeze %dma_start3A_216 : memref<1x32x1024xf32, #tpu.memory_space<vmem>> -> memref<32x1024xf32, #tpu.memory_space<vmem>>
    %dma_start3A_218 = arith.constant 0 : i32
    %dma_start3A_219 = tpu.memref_slice %arg2[%add3A_206, %dma_start3A_218] : memref<4096x1024xf32, #tpu.memory_space<hbm>> -> memref<32x1024xf32, #tpu.memory_space<hbm>>
    tpu.enqueue_dma source(%dma_start3A_219 : memref<32x1024xf32, #tpu.memory_space<hbm>>) target(%dma_start3A_217 : memref<32x1024xf32, #tpu.memory_space<vmem>>) target_semaphore(%arg5 : memref<!tpu.dma_semaphore, #tpu.memory_space<semaphore_mem>>)
    %add3A_220 = arith.constant 32 : i32
    %add3A_221 = arith.addi %mul3A_2, %add3A_220 : i32
    %dma_start3A_222 = arith.constant 1 : i32
    %dma_start3A_223 = arith.constant 0 : i32
    %dma_start3A_224 = arith.constant 0 : i32
    %dma_start3A_225 = arith.constant 0 : i32
    %dma_start3A_226 = tpu.memref_slice %arg4[%dma_start3A_222, %dma_start3A_224, %dma_start3A_225] : memref<2x32x1024xf32, #tpu.memory_space<vmem>> -> memref<1x32x1024xf32, #tpu.memory_space<vmem>>
    %dma_start3A_227 = tpu.memref_squeeze %dma_start3A_226 : memref<1x32x1024xf32, #tpu.memory_space<vmem>> -> memref<32x1024xf32, #tpu.memory_space<vmem>>
    %dma_start3A_228 = arith.constant 0 : i32
    %dma_start3A_229 = tpu.memref_slice %arg3[%dma_start3A_223, %add3A_221, %dma_start3A_228] : memref<4x4096x1024xf32, #tpu.memory_space<hbm>> -> memref<1x32x1024xf32, #tpu.memory_space<hbm>>
    %dma_start3A_230 = tpu.memref_squeeze %dma_start3A_229 : memref<1x32x1024xf32, #tpu.memory_space<hbm>> -> memref<32x1024xf32, #tpu.memory_space<hbm>>
    %dma_start3A_231 = arith.constant 0 : i32
    %dma_start3A_232 = tpu.memref_slice %arg3[%dma_start3A_223, %add3A_221, %dma_start3A_231] : memref<4x4096x1024xf32, #tpu.memory_space<hbm>> -> memref<1x32x1024xf32, #tpu.memory_space<hbm>>
    %dma_start3A_233 = tpu.memref_squeeze %dma_start3A_232 : memref<1x32x1024xf32, #tpu.memory_space<hbm>> -> memref<32x1024xf32, #tpu.memory_space<hbm>>
    %dma_start3A_234 = arith.constant 0 : i32
    %dma_start3A_235 = arith.constant 0 : i32
    %dma_start3A_236 = tpu.memref_slice %arg4[%dma_start3A_222, %dma_start3A_234, %dma_start3A_235] : memref<2x32x1024xf32, #tpu.memory_space<vmem>> -> memref<1x32x1024xf32, #tpu.memory_space<vmem>>
    %dma_start3A_237 = tpu.memref_squeeze %dma_start3A_236 : memref<1x32x1024xf32, #tpu.memory_space<vmem>> -> memref<32x1024xf32, #tpu.memory_space<vmem>>
    tpu.enqueue_dma source(%dma_start3A_237 : memref<32x1024xf32, #tpu.memory_space<vmem>>) target(%dma_start3A_233 : memref<32x1024xf32, #tpu.memory_space<hbm>>) target_semaphore(%arg6 : memref<!tpu.dma_semaphore, #tpu.memory_space<semaphore_mem>>)
    %add3A_238 = arith.constant 32 : i32
    %add3A_239 = arith.addi %mul3A_2, %add3A_238 : i32
    %dma_start3A_240 = arith.constant 1 : i32
    %dma_start3A_241 = arith.constant 1 : i32
    %dma_start3A_242 = arith.constant 0 : i32
    %dma_start3A_243 = arith.constant 0 : i32
    %dma_start3A_244 = tpu.memref_slice %arg4[%dma_start3A_240, %dma_start3A_242, %dma_start3A_243] : memref<2x32x1024xf32, #tpu.memory_space<vmem>> -> memref<1x32x1024xf32, #tpu.memory_space<vmem>>
    %dma_start3A_245 = tpu.memref_squeeze %dma_start3A_244 : memref<1x32x1024xf32, #tpu.memory_space<vmem>> -> memref<32x1024xf32, #tpu.memory_space<vmem>>
    %dma_start3A_246 = arith.constant 0 : i32
    %dma_start3A_247 = tpu.memref_slice %arg3[%dma_start3A_241, %add3A_239, %dma_start3A_246] : memref<4x4096x1024xf32, #tpu.memory_space<hbm>> -> memref<1x32x1024xf32, #tpu.memory_space<hbm>>
    %dma_start3A_248 = tpu.memref_squeeze %dma_start3A_247 : memref<1x32x1024xf32, #tpu.memory_space<hbm>> -> memref<32x1024xf32, #tpu.memory_space<hbm>>
    %dma_start3A_249 = arith.constant 0 : i32
    %dma_start3A_250 = tpu.memref_slice %arg3[%dma_start3A_241, %add3A_239, %dma_start3A_249] : memref<4x4096x1024xf32, #tpu.memory_space<hbm>> -> memref<1x32x1024xf32, #tpu.memory_space<hbm>>
    %dma_start3A_251 = tpu.memref_squeeze %dma_start3A_250 : memref<1x32x1024xf32, #tpu.memory_space<hbm>> -> memref<32x1024xf32, #tpu.memory_space<hbm>>
    %dma_start3A_252 = arith.constant 0 : i32
    %dma_start3A_253 = arith.constant 0 : i32
    %dma_start3A_254 = tpu.memref_slice %arg4[%dma_start3A_240, %dma_start3A_252, %dma_start3A_253] : memref<2x32x1024xf32, #tpu.memory_space<vmem>> -> memref<1x32x1024xf32, #tpu.memory_space<vmem>>
    %dma_start3A_255 = tpu.memref_squeeze %dma_start3A_254 : memref<1x32x1024xf32, #tpu.memory_space<vmem>> -> memref<32x1024xf32, #tpu.memory_space<vmem>>
    tpu.enqueue_dma source(%dma_start3A_255 : memref<32x1024xf32, #tpu.memory_space<vmem>>) target(%dma_start3A_251 : memref<32x1024xf32, #tpu.memory_space<hbm>>) target_semaphore(%arg6 : memref<!tpu.dma_semaphore, #tpu.memory_space<semaphore_mem>>)
    %add3A_256 = arith.constant 32 : i32
    %add3A_257 = arith.addi %mul3A_2, %add3A_256 : i32
    %dma_start3A_258 = arith.constant 1 : i32
    %dma_start3A_259 = arith.constant 2 : i32
    %dma_start3A_260 = arith.constant 0 : i32
    %dma_start3A_261 = arith.constant 0 : i32
    %dma_start3A_262 = tpu.memref_slice %arg4[%dma_start3A_258, %dma_start3A_260, %dma_start3A_261] : memref<2x32x1024xf32, #tpu.memory_space<vmem>> -> memref<1x32x1024xf32, #tpu.memory_space<vmem>>
    %dma_start3A_263 = tpu.memref_squeeze %dma_start3A_262 : memref<1x32x1024xf32, #tpu.memory_space<vmem>> -> memref<32x1024xf32, #tpu.memory_space<vmem>>
    %dma_start3A_264 = arith.constant 0 : i32
    %dma_start3A_265 = tpu.memref_slice %arg3[%dma_start3A_259, %add3A_257, %dma_start3A_264] : memref<4x4096x1024xf32, #tpu.memory_space<hbm>> -> memref<1x32x1024xf32, #tpu.memory_space<hbm>>
    %dma_start3A_266 = tpu.memref_squeeze %dma_start3A_265 : memref<1x32x1024xf32, #tpu.memory_space<hbm>> -> memref<32x1024xf32, #tpu.memory_space<hbm>>
    %dma_start3A_267 = arith.constant 0 : i32
    %dma_start3A_268 = tpu.memref_slice %arg3[%dma_start3A_259, %add3A_257, %dma_start3A_267] : memref<4x4096x1024xf32, #tpu.memory_space<hbm>> -> memref<1x32x1024xf32, #tpu.memory_space<hbm>>
    %dma_start3A_269 = tpu.memref_squeeze %dma_start3A_268 : memref<1x32x1024xf32, #tpu.memory_space<hbm>> -> memref<32x1024xf32, #tpu.memory_space<hbm>>
    %dma_start3A_270 = arith.constant 0 : i32
    %dma_start3A_271 = arith.constant 0 : i32
    %dma_start3A_272 = tpu.memref_slice %arg4[%dma_start3A_258, %dma_start3A_270, %dma_start3A_271] : memref<2x32x1024xf32, #tpu.memory_space<vmem>> -> memref<1x32x1024xf32, #tpu.memory_space<vmem>>
    %dma_start3A_273 = tpu.memref_squeeze %dma_start3A_272 : memref<1x32x1024xf32, #tpu.memory_space<vmem>> -> memref<32x1024xf32, #tpu.memory_space<vmem>>
    tpu.enqueue_dma source(%dma_start3A_273 : memref<32x1024xf32, #tpu.memory_space<vmem>>) target(%dma_start3A_269 : memref<32x1024xf32, #tpu.memory_space<hbm>>) target_semaphore(%arg6 : memref<!tpu.dma_semaphore, #tpu.memory_space<semaphore_mem>>)
    %add3A_274 = arith.constant 32 : i32
    %add3A_275 = arith.addi %mul3A_2, %add3A_274 : i32
    %dma_start3A_276 = arith.constant 1 : i32
    %dma_start3A_277 = arith.constant 3 : i32
    %dma_start3A_278 = arith.constant 0 : i32
    %dma_start3A_279 = arith.constant 0 : i32
    %dma_start3A_280 = tpu.memref_slice %arg4[%dma_start3A_276, %dma_start3A_278, %dma_start3A_279] : memref<2x32x1024xf32, #tpu.memory_space<vmem>> -> memref<1x32x1024xf32, #tpu.memory_space<vmem>>
    %dma_start3A_281 = tpu.memref_squeeze %dma_start3A_280 : memref<1x32x1024xf32, #tpu.memory_space<vmem>> -> memref<32x1024xf32, #tpu.memory_space<vmem>>
    %dma_start3A_282 = arith.constant 0 : i32
    %dma_start3A_283 = tpu.memref_slice %arg3[%dma_start3A_277, %add3A_275, %dma_start3A_282] : memref<4x4096x1024xf32, #tpu.memory_space<hbm>> -> memref<1x32x1024xf32, #tpu.memory_space<hbm>>
    %dma_start3A_284 = tpu.memref_squeeze %dma_start3A_283 : memref<1x32x1024xf32, #tpu.memory_space<hbm>> -> memref<32x1024xf32, #tpu.memory_space<hbm>>
    %dma_start3A_285 = arith.constant 0 : i32
    %dma_start3A_286 = tpu.memref_slice %arg3[%dma_start3A_277, %add3A_275, %dma_start3A_285] : memref<4x4096x1024xf32, #tpu.memory_space<hbm>> -> memref<1x32x1024xf32, #tpu.memory_space<hbm>>
    %dma_start3A_287 = tpu.memref_squeeze %dma_start3A_286 : memref<1x32x1024xf32, #tpu.memory_space<hbm>> -> memref<32x1024xf32, #tpu.memory_space<hbm>>
    %dma_start3A_288 = arith.constant 0 : i32
    %dma_start3A_289 = arith.constant 0 : i32
    %dma_start3A_290 = tpu.memref_slice %arg4[%dma_start3A_276, %dma_start3A_288, %dma_start3A_289] : memref<2x32x1024xf32, #tpu.memory_space<vmem>> -> memref<1x32x1024xf32, #tpu.memory_space<vmem>>
    %dma_start3A_291 = tpu.memref_squeeze %dma_start3A_290 : memref<1x32x1024xf32, #tpu.memory_space<vmem>> -> memref<32x1024xf32, #tpu.memory_space<vmem>>
    tpu.enqueue_dma source(%dma_start3A_291 : memref<32x1024xf32, #tpu.memory_space<vmem>>) target(%dma_start3A_287 : memref<32x1024xf32, #tpu.memory_space<hbm>>) target_semaphore(%arg6 : memref<!tpu.dma_semaphore, #tpu.memory_space<semaphore_mem>>)
    %add3A_292 = arith.constant 64 : i32
    %add3A_293 = arith.addi %mul3A_2, %add3A_292 : i32
    %dma_wait3A_294 = arith.constant 0 : i32
    %dma_wait3A_295 = arith.constant 0 : i32
    %dma_wait3A_296 = arith.constant 0 : i32
    %dma_wait3A_297 = tpu.memref_slice %arg4[%dma_wait3A_294, %dma_wait3A_295, %dma_wait3A_296] : memref<2x32x1024xf32, #tpu.memory_space<vmem>> -> memref<1x32x1024xf32, #tpu.memory_space<vmem>>
    %dma_wait3A_298 = tpu.memref_squeeze %dma_wait3A_297 : memref<1x32x1024xf32, #tpu.memory_space<vmem>> -> memref<32x1024xf32, #tpu.memory_space<vmem>>
    %dma_wait3A_299 = arith.constant 0 : i32
    %dma_wait3A_300 = tpu.memref_slice %arg2[%add3A_293, %dma_wait3A_299] : memref<4096x1024xf32, #tpu.memory_space<hbm>> -> memref<32x1024xf32, #tpu.memory_space<hbm>>
    %dma_wait3A_301 = arith.constant 0 : i32
    %dma_wait3A_302 = arith.constant 0 : i32
    %dma_wait3A_303 = tpu.memref_slice %arg4[%dma_wait3A_294, %dma_wait3A_301, %dma_wait3A_302] : memref<2x32x1024xf32, #tpu.memory_space<vmem>> -> memref<1x32x1024xf32, #tpu.memory_space<vmem>>
    %dma_wait3A_304 = tpu.memref_squeeze %dma_wait3A_303 : memref<1x32x1024xf32, #tpu.memory_space<vmem>> -> memref<32x1024xf32, #tpu.memory_space<vmem>>
    %dma_wait3A_305 = arith.constant 0 : i32
    %dma_wait3A_306 = tpu.memref_slice %arg2[%add3A_293, %dma_wait3A_305] : memref<4096x1024xf32, #tpu.memory_space<hbm>> -> memref<32x1024xf32, #tpu.memory_space<hbm>>
    tpu.wait_dma2 semaphore(%arg5 : memref<!tpu.dma_semaphore, #tpu.memory_space<semaphore_mem>>) src(%dma_wait3A_306 : memref<32x1024xf32, #tpu.memory_space<hbm>>) dst(%dma_wait3A_304 : memref<32x1024xf32, #tpu.memory_space<vmem>>)
    %add3A_307 = arith.constant 32 : i32
    %add3A_308 = arith.addi %mul3A_2, %add3A_307 : i32
    %dma_wait3A_309 = arith.constant 1 : i32
    %dma_wait3A_310 = arith.constant 0 : i32
    %dma_wait3A_311 = arith.constant 0 : i32
    %dma_wait3A_312 = arith.constant 0 : i32
    %dma_wait3A_313 = tpu.memref_slice %arg4[%dma_wait3A_309, %dma_wait3A_311, %dma_wait3A_312] : memref<2x32x1024xf32, #tpu.memory_space<vmem>> -> memref<1x32x1024xf32, #tpu.memory_space<vmem>>
    %dma_wait3A_314 = tpu.memref_squeeze %dma_wait3A_313 : memref<1x32x1024xf32, #tpu.memory_space<vmem>> -> memref<32x1024xf32, #tpu.memory_space<vmem>>
    %dma_wait3A_315 = arith.constant 0 : i32
    %dma_wait3A_316 = tpu.memref_slice %arg3[%dma_wait3A_310, %add3A_308, %dma_wait3A_315] : memref<4x4096x1024xf32, #tpu.memory_space<hbm>> -> memref<1x32x1024xf32, #tpu.memory_space<hbm>>
    %dma_wait3A_317 = tpu.memref_squeeze %dma_wait3A_316 : memref<1x32x1024xf32, #tpu.memory_space<hbm>> -> memref<32x1024xf32, #tpu.memory_space<hbm>>
    %dma_wait3A_318 = arith.constant 0 : i32
    %dma_wait3A_319 = tpu.memref_slice %arg3[%dma_wait3A_310, %add3A_308, %dma_wait3A_318] : memref<4x4096x1024xf32, #tpu.memory_space<hbm>> -> memref<1x32x1024xf32, #tpu.memory_space<hbm>>
    %dma_wait3A_320 = tpu.memref_squeeze %dma_wait3A_319 : memref<1x32x1024xf32, #tpu.memory_space<hbm>> -> memref<32x1024xf32, #tpu.memory_space<hbm>>
    %dma_wait3A_321 = arith.constant 0 : i32
    %dma_wait3A_322 = arith.constant 0 : i32
    %dma_wait3A_323 = tpu.memref_slice %arg4[%dma_wait3A_309, %dma_wait3A_321, %dma_wait3A_322] : memref<2x32x1024xf32, #tpu.memory_space<vmem>> -> memref<1x32x1024xf32, #tpu.memory_space<vmem>>
    %dma_wait3A_324 = tpu.memref_squeeze %dma_wait3A_323 : memref<1x32x1024xf32, #tpu.memory_space<vmem>> -> memref<32x1024xf32, #tpu.memory_space<vmem>>
    tpu.wait_dma2 semaphore(%arg6 : memref<!tpu.dma_semaphore, #tpu.memory_space<semaphore_mem>>) src(%dma_wait3A_324 : memref<32x1024xf32, #tpu.memory_space<vmem>>) dst(%dma_wait3A_320 : memref<32x1024xf32, #tpu.memory_space<hbm>>)
    %add3A_325 = arith.constant 32 : i32
    %add3A_326 = arith.addi %mul3A_2, %add3A_325 : i32
    %dma_wait3A_327 = arith.constant 1 : i32
    %dma_wait3A_328 = arith.constant 1 : i32
    %dma_wait3A_329 = arith.constant 0 : i32
    %dma_wait3A_330 = arith.constant 0 : i32
    %dma_wait3A_331 = tpu.memref_slice %arg4[%dma_wait3A_327, %dma_wait3A_329, %dma_wait3A_330] : memref<2x32x1024xf32, #tpu.memory_space<vmem>> -> memref<1x32x1024xf32, #tpu.memory_space<vmem>>
    %dma_wait3A_332 = tpu.memref_squeeze %dma_wait3A_331 : memref<1x32x1024xf32, #tpu.memory_space<vmem>> -> memref<32x1024xf32, #tpu.memory_space<vmem>>
    %dma_wait3A_333 = arith.constant 0 : i32
    %dma_wait3A_334 = tpu.memref_slice %arg3[%dma_wait3A_328, %add3A_326, %dma_wait3A_333] : memref<4x4096x1024xf32, #tpu.memory_space<hbm>> -> memref<1x32x1024xf32, #tpu.memory_space<hbm>>
    %dma_wait3A_335 = tpu.memref_squeeze %dma_wait3A_334 : memref<1x32x1024xf32, #tpu.memory_space<hbm>> -> memref<32x1024xf32, #tpu.memory_space<hbm>>
    %dma_wait3A_336 = arith.constant 0 : i32
    %dma_wait3A_337 = tpu.memref_slice %arg3[%dma_wait3A_328, %add3A_326, %dma_wait3A_336] : memref<4x4096x1024xf32, #tpu.memory_space<hbm>> -> memref<1x32x1024xf32, #tpu.memory_space<hbm>>
    %dma_wait3A_338 = tpu.memref_squeeze %dma_wait3A_337 : memref<1x32x1024xf32, #tpu.memory_space<hbm>> -> memref<32x1024xf32, #tpu.memory_space<hbm>>
    %dma_wait3A_339 = arith.constant 0 : i32
    %dma_wait3A_340 = arith.constant 0 : i32
    %dma_wait3A_341 = tpu.memref_slice %arg4[%dma_wait3A_327, %dma_wait3A_339, %dma_wait3A_340] : memref<2x32x1024xf32, #tpu.memory_space<vmem>> -> memref<1x32x1024xf32, #tpu.memory_space<vmem>>
    %dma_wait3A_342 = tpu.memref_squeeze %dma_wait3A_341 : memref<1x32x1024xf32, #tpu.memory_space<vmem>> -> memref<32x1024xf32, #tpu.memory_space<vmem>>
    tpu.wait_dma2 semaphore(%arg6 : memref<!tpu.dma_semaphore, #tpu.memory_space<semaphore_mem>>) src(%dma_wait3A_342 : memref<32x1024xf32, #tpu.memory_space<vmem>>) dst(%dma_wait3A_338 : memref<32x1024xf32, #tpu.memory_space<hbm>>)
    %add3A_343 = arith.constant 32 : i32
    %add3A_344 = arith.addi %mul3A_2, %add3A_343 : i32
    %dma_wait3A_345 = arith.constant 1 : i32
    %dma_wait3A_346 = arith.constant 2 : i32
    %dma_wait3A_347 = arith.constant 0 : i32
    %dma_wait3A_348 = arith.constant 0 : i32
    %dma_wait3A_349 = tpu.memref_slice %arg4[%dma_wait3A_345, %dma_wait3A_347, %dma_wait3A_348] : memref<2x32x1024xf32, #tpu.memory_space<vmem>> -> memref<1x32x1024xf32, #tpu.memory_space<vmem>>
    %dma_wait3A_350 = tpu.memref_squeeze %dma_wait3A_349 : memref<1x32x1024xf32, #tpu.memory_space<vmem>> -> memref<32x1024xf32, #tpu.memory_space<vmem>>
    %dma_wait3A_351 = arith.constant 0 : i32
    %dma_wait3A_352 = tpu.memref_slice %arg3[%dma_wait3A_346, %add3A_344, %dma_wait3A_351] : memref<4x4096x1024xf32, #tpu.memory_space<hbm>> -> memref<1x32x1024xf32, #tpu.memory_space<hbm>>
    %dma_wait3A_353 = tpu.memref_squeeze %dma_wait3A_352 : memref<1x32x1024xf32, #tpu.memory_space<hbm>> -> memref<32x1024xf32, #tpu.memory_space<hbm>>
    %dma_wait3A_354 = arith.constant 0 : i32
    %dma_wait3A_355 = tpu.memref_slice %arg3[%dma_wait3A_346, %add3A_344, %dma_wait3A_354] : memref<4x4096x1024xf32, #tpu.memory_space<hbm>> -> memref<1x32x1024xf32, #tpu.memory_space<hbm>>
    %dma_wait3A_356 = tpu.memref_squeeze %dma_wait3A_355 : memref<1x32x1024xf32, #tpu.memory_space<hbm>> -> memref<32x1024xf32, #tpu.memory_space<hbm>>
    %dma_wait3A_357 = arith.constant 0 : i32
    %dma_wait3A_358 = arith.constant 0 : i32
    %dma_wait3A_359 = tpu.memref_slice %arg4[%dma_wait3A_345, %dma_wait3A_357, %dma_wait3A_358] : memref<2x32x1024xf32, #tpu.memory_space<vmem>> -> memref<1x32x1024xf32, #tpu.memory_space<vmem>>
    %dma_wait3A_360 = tpu.memref_squeeze %dma_wait3A_359 : memref<1x32x1024xf32, #tpu.memory_space<vmem>> -> memref<32x1024xf32, #tpu.memory_space<vmem>>
    tpu.wait_dma2 semaphore(%arg6 : memref<!tpu.dma_semaphore, #tpu.memory_space<semaphore_mem>>) src(%dma_wait3A_360 : memref<32x1024xf32, #tpu.memory_space<vmem>>) dst(%dma_wait3A_356 : memref<32x1024xf32, #tpu.memory_space<hbm>>)
    %add3A_361 = arith.constant 32 : i32
    %add3A_362 = arith.addi %mul3A_2, %add3A_361 : i32
    %dma_wait3A_363 = arith.constant 1 : i32
    %dma_wait3A_364 = arith.constant 3 : i32
    %dma_wait3A_365 = arith.constant 0 : i32
    %dma_wait3A_366 = arith.constant 0 : i32
    %dma_wait3A_367 = tpu.memref_slice %arg4[%dma_wait3A_363, %dma_wait3A_365, %dma_wait3A_366] : memref<2x32x1024xf32, #tpu.memory_space<vmem>> -> memref<1x32x1024xf32, #tpu.memory_space<vmem>>
    %dma_wait3A_368 = tpu.memref_squeeze %dma_wait3A_367 : memref<1x32x1024xf32, #tpu.memory_space<vmem>> -> memref<32x1024xf32, #tpu.memory_space<vmem>>
    %dma_wait3A_369 = arith.constant 0 : i32
    %dma_wait3A_370 = tpu.memref_slice %arg3[%dma_wait3A_364, %add3A_362, %dma_wait3A_369] : memref<4x4096x1024xf32, #tpu.memory_space<hbm>> -> memref<1x32x1024xf32, #tpu.memory_space<hbm>>
    %dma_wait3A_371 = tpu.memref_squeeze %dma_wait3A_370 : memref<1x32x1024xf32, #tpu.memory_space<hbm>> -> memref<32x1024xf32, #tpu.memory_space<hbm>>
    %dma_wait3A_372 = arith.constant 0 : i32
    %dma_wait3A_373 = tpu.memref_slice %arg3[%dma_wait3A_364, %add3A_362, %dma_wait3A_372] : memref<4x4096x1024xf32, #tpu.memory_space<hbm>> -> memref<1x32x1024xf32, #tpu.memory_space<hbm>>
    %dma_wait3A_374 = tpu.memref_squeeze %dma_wait3A_373 : memref<1x32x1024xf32, #tpu.memory_space<hbm>> -> memref<32x1024xf32, #tpu.memory_space<hbm>>
    %dma_wait3A_375 = arith.constant 0 : i32
    %dma_wait3A_376 = arith.constant 0 : i32
    %dma_wait3A_377 = tpu.memref_slice %arg4[%dma_wait3A_363, %dma_wait3A_375, %dma_wait3A_376] : memref<2x32x1024xf32, #tpu.memory_space<vmem>> -> memref<1x32x1024xf32, #tpu.memory_space<vmem>>
    %dma_wait3A_378 = tpu.memref_squeeze %dma_wait3A_377 : memref<1x32x1024xf32, #tpu.memory_space<vmem>> -> memref<32x1024xf32, #tpu.memory_space<vmem>>
    tpu.wait_dma2 semaphore(%arg6 : memref<!tpu.dma_semaphore, #tpu.memory_space<semaphore_mem>>) src(%dma_wait3A_378 : memref<32x1024xf32, #tpu.memory_space<vmem>>) dst(%dma_wait3A_374 : memref<32x1024xf32, #tpu.memory_space<hbm>>)
    %add3A_379 = arith.constant 96 : i32
    %add3A_380 = arith.addi %mul3A_2, %add3A_379 : i32
    %dma_start3A_381 = arith.constant 1 : i32
    %dma_start3A_382 = arith.constant 0 : i32
    %dma_start3A_383 = arith.constant 0 : i32
    %dma_start3A_384 = tpu.memref_slice %arg4[%dma_start3A_381, %dma_start3A_382, %dma_start3A_383] : memref<2x32x1024xf32, #tpu.memory_space<vmem>> -> memref<1x32x1024xf32, #tpu.memory_space<vmem>>
    %dma_start3A_385 = tpu.memref_squeeze %dma_start3A_384 : memref<1x32x1024xf32, #tpu.memory_space<vmem>> -> memref<32x1024xf32, #tpu.memory_space<vmem>>
    %dma_start3A_386 = arith.constant 0 : i32
    %dma_start3A_387 = tpu.memref_slice %arg2[%add3A_380, %dma_start3A_386] : memref<4096x1024xf32, #tpu.memory_space<hbm>> -> memref<32x1024xf32, #tpu.memory_space<hbm>>
    %dma_start3A_388 = arith.constant 0 : i32
    %dma_start3A_389 = arith.constant 0 : i32
    %dma_start3A_390 = tpu.memref_slice %arg4[%dma_start3A_381, %dma_start3A_388, %dma_start3A_389] : memref<2x32x1024xf32, #tpu.memory_space<vmem>> -> memref<1x32x1024xf32, #tpu.memory_space<vmem>>
    %dma_start3A_391 = tpu.memref_squeeze %dma_start3A_390 : memref<1x32x1024xf32, #tpu.memory_space<vmem>> -> memref<32x1024xf32, #tpu.memory_space<vmem>>
    %dma_start3A_392 = arith.constant 0 : i32
    %dma_start3A_393 = tpu.memref_slice %arg2[%add3A_380, %dma_start3A_392] : memref<4096x1024xf32, #tpu.memory_space<hbm>> -> memref<32x1024xf32, #tpu.memory_space<hbm>>
    tpu.enqueue_dma source(%dma_start3A_393 : memref<32x1024xf32, #tpu.memory_space<hbm>>) target(%dma_start3A_391 : memref<32x1024xf32, #tpu.memory_space<vmem>>) target_semaphore(%arg5 : memref<!tpu.dma_semaphore, #tpu.memory_space<semaphore_mem>>)
    %add3A_394 = arith.constant 64 : i32
    %add3A_395 = arith.addi %mul3A_2, %add3A_394 : i32
    %dma_start3A_396 = arith.constant 0 : i32
    %dma_start3A_397 = arith.constant 0 : i32
    %dma_start3A_398 = arith.constant 0 : i32
    %dma_start3A_399 = arith.constant 0 : i32
    %dma_start3A_400 = tpu.memref_slice %arg4[%dma_start3A_396, %dma_start3A_398, %dma_start3A_399] : memref<2x32x1024xf32, #tpu.memory_space<vmem>> -> memref<1x32x1024xf32, #tpu.memory_space<vmem>>
    %dma_start3A_401 = tpu.memref_squeeze %dma_start3A_400 : memref<1x32x1024xf32, #tpu.memory_space<vmem>> -> memref<32x1024xf32, #tpu.memory_space<vmem>>
    %dma_start3A_402 = arith.constant 0 : i32
    %dma_start3A_403 = tpu.memref_slice %arg3[%dma_start3A_397, %add3A_395, %dma_start3A_402] : memref<4x4096x1024xf32, #tpu.memory_space<hbm>> -> memref<1x32x1024xf32, #tpu.memory_space<hbm>>
    %dma_start3A_404 = tpu.memref_squeeze %dma_start3A_403 : memref<1x32x1024xf32, #tpu.memory_space<hbm>> -> memref<32x1024xf32, #tpu.memory_space<hbm>>
    %dma_start3A_405 = arith.constant 0 : i32
    %dma_start3A_406 = tpu.memref_slice %arg3[%dma_start3A_397, %add3A_395, %dma_start3A_405] : memref<4x4096x1024xf32, #tpu.memory_space<hbm>> -> memref<1x32x1024xf32, #tpu.memory_space<hbm>>
    %dma_start3A_407 = tpu.memref_squeeze %dma_start3A_406 : memref<1x32x1024xf32, #tpu.memory_space<hbm>> -> memref<32x1024xf32, #tpu.memory_space<hbm>>
    %dma_start3A_408 = arith.constant 0 : i32
    %dma_start3A_409 = arith.constant 0 : i32
    %dma_start3A_410 = tpu.memref_slice %arg4[%dma_start3A_396, %dma_start3A_408, %dma_start3A_409] : memref<2x32x1024xf32, #tpu.memory_space<vmem>> -> memref<1x32x1024xf32, #tpu.memory_space<vmem>>
    %dma_start3A_411 = tpu.memref_squeeze %dma_start3A_410 : memref<1x32x1024xf32, #tpu.memory_space<vmem>> -> memref<32x1024xf32, #tpu.memory_space<vmem>>
    tpu.enqueue_dma source(%dma_start3A_411 : memref<32x1024xf32, #tpu.memory_space<vmem>>) target(%dma_start3A_407 : memref<32x1024xf32, #tpu.memory_space<hbm>>) target_semaphore(%arg6 : memref<!tpu.dma_semaphore, #tpu.memory_space<semaphore_mem>>)
    %add3A_412 = arith.constant 64 : i32
    %add3A_413 = arith.addi %mul3A_2, %add3A_412 : i32
    %dma_start3A_414 = arith.constant 0 : i32
    %dma_start3A_415 = arith.constant 1 : i32
    %dma_start3A_416 = arith.constant 0 : i32
    %dma_start3A_417 = arith.constant 0 : i32
    %dma_start3A_418 = tpu.memref_slice %arg4[%dma_start3A_414, %dma_start3A_416, %dma_start3A_417] : memref<2x32x1024xf32, #tpu.memory_space<vmem>> -> memref<1x32x1024xf32, #tpu.memory_space<vmem>>
    %dma_start3A_419 = tpu.memref_squeeze %dma_start3A_418 : memref<1x32x1024xf32, #tpu.memory_space<vmem>> -> memref<32x1024xf32, #tpu.memory_space<vmem>>
    %dma_start3A_420 = arith.constant 0 : i32
    %dma_start3A_421 = tpu.memref_slice %arg3[%dma_start3A_415, %add3A_413, %dma_start3A_420] : memref<4x4096x1024xf32, #tpu.memory_space<hbm>> -> memref<1x32x1024xf32, #tpu.memory_space<hbm>>
    %dma_start3A_422 = tpu.memref_squeeze %dma_start3A_421 : memref<1x32x1024xf32, #tpu.memory_space<hbm>> -> memref<32x1024xf32, #tpu.memory_space<hbm>>
    %dma_start3A_423 = arith.constant 0 : i32
    %dma_start3A_424 = tpu.memref_slice %arg3[%dma_start3A_415, %add3A_413, %dma_start3A_423] : memref<4x4096x1024xf32, #tpu.memory_space<hbm>> -> memref<1x32x1024xf32, #tpu.memory_space<hbm>>
    %dma_start3A_425 = tpu.memref_squeeze %dma_start3A_424 : memref<1x32x1024xf32, #tpu.memory_space<hbm>> -> memref<32x1024xf32, #tpu.memory_space<hbm>>
    %dma_start3A_426 = arith.constant 0 : i32
    %dma_start3A_427 = arith.constant 0 : i32
    %dma_start3A_428 = tpu.memref_slice %arg4[%dma_start3A_414, %dma_start3A_426, %dma_start3A_427] : memref<2x32x1024xf32, #tpu.memory_space<vmem>> -> memref<1x32x1024xf32, #tpu.memory_space<vmem>>
    %dma_start3A_429 = tpu.memref_squeeze %dma_start3A_428 : memref<1x32x1024xf32, #tpu.memory_space<vmem>> -> memref<32x1024xf32, #tpu.memory_space<vmem>>
    tpu.enqueue_dma source(%dma_start3A_429 : memref<32x1024xf32, #tpu.memory_space<vmem>>) target(%dma_start3A_425 : memref<32x1024xf32, #tpu.memory_space<hbm>>) target_semaphore(%arg6 : memref<!tpu.dma_semaphore, #tpu.memory_space<semaphore_mem>>)
    %add3A_430 = arith.constant 64 : i32
    %add3A_431 = arith.addi %mul3A_2, %add3A_430 : i32
    %dma_start3A_432 = arith.constant 0 : i32
    %dma_start3A_433 = arith.constant 2 : i32
    %dma_start3A_434 = arith.constant 0 : i32
    %dma_start3A_435 = arith.constant 0 : i32
    %dma_start3A_436 = tpu.memref_slice %arg4[%dma_start3A_432, %dma_start3A_434, %dma_start3A_435] : memref<2x32x1024xf32, #tpu.memory_space<vmem>> -> memref<1x32x1024xf32, #tpu.memory_space<vmem>>
    %dma_start3A_437 = tpu.memref_squeeze %dma_start3A_436 : memref<1x32x1024xf32, #tpu.memory_space<vmem>> -> memref<32x1024xf32, #tpu.memory_space<vmem>>
    %dma_start3A_438 = arith.constant 0 : i32
    %dma_start3A_439 = tpu.memref_slice %arg3[%dma_start3A_433, %add3A_431, %dma_start3A_438] : memref<4x4096x1024xf32, #tpu.memory_space<hbm>> -> memref<1x32x1024xf32, #tpu.memory_space<hbm>>
    %dma_start3A_440 = tpu.memref_squeeze %dma_start3A_439 : memref<1x32x1024xf32, #tpu.memory_space<hbm>> -> memref<32x1024xf32, #tpu.memory_space<hbm>>
    %dma_start3A_441 = arith.constant 0 : i32
    %dma_start3A_442 = tpu.memref_slice %arg3[%dma_start3A_433, %add3A_431, %dma_start3A_441] : memref<4x4096x1024xf32, #tpu.memory_space<hbm>> -> memref<1x32x1024xf32, #tpu.memory_space<hbm>>
    %dma_start3A_443 = tpu.memref_squeeze %dma_start3A_442 : memref<1x32x1024xf32, #tpu.memory_space<hbm>> -> memref<32x1024xf32, #tpu.memory_space<hbm>>
    %dma_start3A_444 = arith.constant 0 : i32
    %dma_start3A_445 = arith.constant 0 : i32
    %dma_start3A_446 = tpu.memref_slice %arg4[%dma_start3A_432, %dma_start3A_444, %dma_start3A_445] : memref<2x32x1024xf32, #tpu.memory_space<vmem>> -> memref<1x32x1024xf32, #tpu.memory_space<vmem>>
    %dma_start3A_447 = tpu.memref_squeeze %dma_start3A_446 : memref<1x32x1024xf32, #tpu.memory_space<vmem>> -> memref<32x1024xf32, #tpu.memory_space<vmem>>
    tpu.enqueue_dma source(%dma_start3A_447 : memref<32x1024xf32, #tpu.memory_space<vmem>>) target(%dma_start3A_443 : memref<32x1024xf32, #tpu.memory_space<hbm>>) target_semaphore(%arg6 : memref<!tpu.dma_semaphore, #tpu.memory_space<semaphore_mem>>)
    %add3A_448 = arith.constant 64 : i32
    %add3A_449 = arith.addi %mul3A_2, %add3A_448 : i32
    %dma_start3A_450 = arith.constant 0 : i32
    %dma_start3A_451 = arith.constant 3 : i32
    %dma_start3A_452 = arith.constant 0 : i32
    %dma_start3A_453 = arith.constant 0 : i32
    %dma_start3A_454 = tpu.memref_slice %arg4[%dma_start3A_450, %dma_start3A_452, %dma_start3A_453] : memref<2x32x1024xf32, #tpu.memory_space<vmem>> -> memref<1x32x1024xf32, #tpu.memory_space<vmem>>
    %dma_start3A_455 = tpu.memref_squeeze %dma_start3A_454 : memref<1x32x1024xf32, #tpu.memory_space<vmem>> -> memref<32x1024xf32, #tpu.memory_space<vmem>>
    %dma_start3A_456 = arith.constant 0 : i32
    %dma_start3A_457 = tpu.memref_slice %arg3[%dma_start3A_451, %add3A_449, %dma_start3A_456] : memref<4x4096x1024xf32, #tpu.memory_space<hbm>> -> memref<1x32x1024xf32, #tpu.memory_space<hbm>>
    %dma_start3A_458 = tpu.memref_squeeze %dma_start3A_457 : memref<1x32x1024xf32, #tpu.memory_space<hbm>> -> memref<32x1024xf32, #tpu.memory_space<hbm>>
    %dma_start3A_459 = arith.constant 0 : i32
    %dma_start3A_460 = tpu.memref_slice %arg3[%dma_start3A_451, %add3A_449, %dma_start3A_459] : memref<4x4096x1024xf32, #tpu.memory_space<hbm>> -> memref<1x32x1024xf32, #tpu.memory_space<hbm>>
    %dma_start3A_461 = tpu.memref_squeeze %dma_start3A_460 : memref<1x32x1024xf32, #tpu.memory_space<hbm>> -> memref<32x1024xf32, #tpu.memory_space<hbm>>
    %dma_start3A_462 = arith.constant 0 : i32
    %dma_start3A_463 = arith.constant 0 : i32
    %dma_start3A_464 = tpu.memref_slice %arg4[%dma_start3A_450, %dma_start3A_462, %dma_start3A_463] : memref<2x32x1024xf32, #tpu.memory_space<vmem>> -> memref<1x32x1024xf32, #tpu.memory_space<vmem>>
    %dma_start3A_465 = tpu.memref_squeeze %dma_start3A_464 : memref<1x32x1024xf32, #tpu.memory_space<vmem>> -> memref<32x1024xf32, #tpu.memory_space<vmem>>
    tpu.enqueue_dma source(%dma_start3A_465 : memref<32x1024xf32, #tpu.memory_space<vmem>>) target(%dma_start3A_461 : memref<32x1024xf32, #tpu.memory_space<hbm>>) target_semaphore(%arg6 : memref<!tpu.dma_semaphore, #tpu.memory_space<semaphore_mem>>)
    %add3A_466 = arith.constant 96 : i32
    %add3A_467 = arith.addi %mul3A_2, %add3A_466 : i32
    %dma_wait3A_468 = arith.constant 1 : i32
    %dma_wait3A_469 = arith.constant 0 : i32
    %dma_wait3A_470 = arith.constant 0 : i32
    %dma_wait3A_471 = tpu.memref_slice %arg4[%dma_wait3A_468, %dma_wait3A_469, %dma_wait3A_470] : memref<2x32x1024xf32, #tpu.memory_space<vmem>> -> memref<1x32x1024xf32, #tpu.memory_space<vmem>>
    %dma_wait3A_472 = tpu.memref_squeeze %dma_wait3A_471 : memref<1x32x1024xf32, #tpu.memory_space<vmem>> -> memref<32x1024xf32, #tpu.memory_space<vmem>>
    %dma_wait3A_473 = arith.constant 0 : i32
    %dma_wait3A_474 = tpu.memref_slice %arg2[%add3A_467, %dma_wait3A_473] : memref<4096x1024xf32, #tpu.memory_space<hbm>> -> memref<32x1024xf32, #tpu.memory_space<hbm>>
    %dma_wait3A_475 = arith.constant 0 : i32
    %dma_wait3A_476 = arith.constant 0 : i32
    %dma_wait3A_477 = tpu.memref_slice %arg4[%dma_wait3A_468, %dma_wait3A_475, %dma_wait3A_476] : memref<2x32x1024xf32, #tpu.memory_space<vmem>> -> memref<1x32x1024xf32, #tpu.memory_space<vmem>>
    %dma_wait3A_478 = tpu.memref_squeeze %dma_wait3A_477 : memref<1x32x1024xf32, #tpu.memory_space<vmem>> -> memref<32x1024xf32, #tpu.memory_space<vmem>>
    %dma_wait3A_479 = arith.constant 0 : i32
    %dma_wait3A_480 = tpu.memref_slice %arg2[%add3A_467, %dma_wait3A_479] : memref<4096x1024xf32, #tpu.memory_space<hbm>> -> memref<32x1024xf32, #tpu.memory_space<hbm>>
    tpu.wait_dma2 semaphore(%arg5 : memref<!tpu.dma_semaphore, #tpu.memory_space<semaphore_mem>>) src(%dma_wait3A_480 : memref<32x1024xf32, #tpu.memory_space<hbm>>) dst(%dma_wait3A_478 : memref<32x1024xf32, #tpu.memory_space<vmem>>)
    %add3A_481 = arith.constant 64 : i32
    %add3A_482 = arith.addi %mul3A_2, %add3A_481 : i32
    %dma_wait3A_483 = arith.constant 0 : i32
    %dma_wait3A_484 = arith.constant 0 : i32
    %dma_wait3A_485 = arith.constant 0 : i32
    %dma_wait3A_486 = arith.constant 0 : i32
    %dma_wait3A_487 = tpu.memref_slice %arg4[%dma_wait3A_483, %dma_wait3A_485, %dma_wait3A_486] : memref<2x32x1024xf32, #tpu.memory_space<vmem>> -> memref<1x32x1024xf32, #tpu.memory_space<vmem>>
    %dma_wait3A_488 = tpu.memref_squeeze %dma_wait3A_487 : memref<1x32x1024xf32, #tpu.memory_space<vmem>> -> memref<32x1024xf32, #tpu.memory_space<vmem>>
    %dma_wait3A_489 = arith.constant 0 : i32
    %dma_wait3A_490 = tpu.memref_slice %arg3[%dma_wait3A_484, %add3A_482, %dma_wait3A_489] : memref<4x4096x1024xf32, #tpu.memory_space<hbm>> -> memref<1x32x1024xf32, #tpu.memory_space<hbm>>
    %dma_wait3A_491 = tpu.memref_squeeze %dma_wait3A_490 : memref<1x32x1024xf32, #tpu.memory_space<hbm>> -> memref<32x1024xf32, #tpu.memory_space<hbm>>
    %dma_wait3A_492 = arith.constant 0 : i32
    %dma_wait3A_493 = tpu.memref_slice %arg3[%dma_wait3A_484, %add3A_482, %dma_wait3A_492] : memref<4x4096x1024xf32, #tpu.memory_space<hbm>> -> memref<1x32x1024xf32, #tpu.memory_space<hbm>>
    %dma_wait3A_494 = tpu.memref_squeeze %dma_wait3A_493 : memref<1x32x1024xf32, #tpu.memory_space<hbm>> -> memref<32x1024xf32, #tpu.memory_space<hbm>>
    %dma_wait3A_495 = arith.constant 0 : i32
    %dma_wait3A_496 = arith.constant 0 : i32
    %dma_wait3A_497 = tpu.memref_slice %arg4[%dma_wait3A_483, %dma_wait3A_495, %dma_wait3A_496] : memref<2x32x1024xf32, #tpu.memory_space<vmem>> -> memref<1x32x1024xf32, #tpu.memory_space<vmem>>
    %dma_wait3A_498 = tpu.memref_squeeze %dma_wait3A_497 : memref<1x32x1024xf32, #tpu.memory_space<vmem>> -> memref<32x1024xf32, #tpu.memory_space<vmem>>
    tpu.wait_dma2 semaphore(%arg6 : memref<!tpu.dma_semaphore, #tpu.memory_space<semaphore_mem>>) src(%dma_wait3A_498 : memref<32x1024xf32, #tpu.memory_space<vmem>>) dst(%dma_wait3A_494 : memref<32x1024xf32, #tpu.memory_space<hbm>>)
    %add3A_499 = arith.constant 64 : i32
    %add3A_500 = arith.addi %mul3A_2, %add3A_499 : i32
    %dma_wait3A_501 = arith.constant 0 : i32
    %dma_wait3A_502 = arith.constant 1 : i32
    %dma_wait3A_503 = arith.constant 0 : i32
    %dma_wait3A_504 = arith.constant 0 : i32
    %dma_wait3A_505 = tpu.memref_slice %arg4[%dma_wait3A_501, %dma_wait3A_503, %dma_wait3A_504] : memref<2x32x1024xf32, #tpu.memory_space<vmem>> -> memref<1x32x1024xf32, #tpu.memory_space<vmem>>
    %dma_wait3A_506 = tpu.memref_squeeze %dma_wait3A_505 : memref<1x32x1024xf32, #tpu.memory_space<vmem>> -> memref<32x1024xf32, #tpu.memory_space<vmem>>
    %dma_wait3A_507 = arith.constant 0 : i32
    %dma_wait3A_508 = tpu.memref_slice %arg3[%dma_wait3A_502, %add3A_500, %dma_wait3A_507] : memref<4x4096x1024xf32, #tpu.memory_space<hbm>> -> memref<1x32x1024xf32, #tpu.memory_space<hbm>>
    %dma_wait3A_509 = tpu.memref_squeeze %dma_wait3A_508 : memref<1x32x1024xf32, #tpu.memory_space<hbm>> -> memref<32x1024xf32, #tpu.memory_space<hbm>>
    %dma_wait3A_510 = arith.constant 0 : i32
    %dma_wait3A_511 = tpu.memref_slice %arg3[%dma_wait3A_502, %add3A_500, %dma_wait3A_510] : memref<4x4096x1024xf32, #tpu.memory_space<hbm>> -> memref<1x32x1024xf32, #tpu.memory_space<hbm>>
    %dma_wait3A_512 = tpu.memref_squeeze %dma_wait3A_511 : memref<1x32x1024xf32, #tpu.memory_space<hbm>> -> memref<32x1024xf32, #tpu.memory_space<hbm>>
    %dma_wait3A_513 = arith.constant 0 : i32
    %dma_wait3A_514 = arith.constant 0 : i32
    %dma_wait3A_515 = tpu.memref_slice %arg4[%dma_wait3A_501, %dma_wait3A_513, %dma_wait3A_514] : memref<2x32x1024xf32, #tpu.memory_space<vmem>> -> memref<1x32x1024xf32, #tpu.memory_space<vmem>>
    %dma_wait3A_516 = tpu.memref_squeeze %dma_wait3A_515 : memref<1x32x1024xf32, #tpu.memory_space<vmem>> -> memref<32x1024xf32, #tpu.memory_space<vmem>>
    tpu.wait_dma2 semaphore(%arg6 : memref<!tpu.dma_semaphore, #tpu.memory_space<semaphore_mem>>) src(%dma_wait3A_516 : memref<32x1024xf32, #tpu.memory_space<vmem>>) dst(%dma_wait3A_512 : memref<32x1024xf32, #tpu.memory_space<hbm>>)
    %add3A_517 = arith.constant 64 : i32
    %add3A_518 = arith.addi %mul3A_2, %add3A_517 : i32
    %dma_wait3A_519 = arith.constant 0 : i32
    %dma_wait3A_520 = arith.constant 2 : i32
    %dma_wait3A_521 = arith.constant 0 : i32
    %dma_wait3A_522 = arith.constant 0 : i32
    %dma_wait3A_523 = tpu.memref_slice %arg4[%dma_wait3A_519, %dma_wait3A_521, %dma_wait3A_522] : memref<2x32x1024xf32, #tpu.memory_space<vmem>> -> memref<1x32x1024xf32, #tpu.memory_space<vmem>>
    %dma_wait3A_524 = tpu.memref_squeeze %dma_wait3A_523 : memref<1x32x1024xf32, #tpu.memory_space<vmem>> -> memref<32x1024xf32, #tpu.memory_space<vmem>>
    %dma_wait3A_525 = arith.constant 0 : i32
    %dma_wait3A_526 = tpu.memref_slice %arg3[%dma_wait3A_520, %add3A_518, %dma_wait3A_525] : memref<4x4096x1024xf32, #tpu.memory_space<hbm>> -> memref<1x32x1024xf32, #tpu.memory_space<hbm>>
    %dma_wait3A_527 = tpu.memref_squeeze %dma_wait3A_526 : memref<1x32x1024xf32, #tpu.memory_space<hbm>> -> memref<32x1024xf32, #tpu.memory_space<hbm>>
    %dma_wait3A_528 = arith.constant 0 : i32
    %dma_wait3A_529 = tpu.memref_slice %arg3[%dma_wait3A_520, %add3A_518, %dma_wait3A_528] : memref<4x4096x1024xf32, #tpu.memory_space<hbm>> -> memref<1x32x1024xf32, #tpu.memory_space<hbm>>
    %dma_wait3A_530 = tpu.memref_squeeze %dma_wait3A_529 : memref<1x32x1024xf32, #tpu.memory_space<hbm>> -> memref<32x1024xf32, #tpu.memory_space<hbm>>
    %dma_wait3A_531 = arith.constant 0 : i32
    %dma_wait3A_532 = arith.constant 0 : i32
    %dma_wait3A_533 = tpu.memref_slice %arg4[%dma_wait3A_519, %dma_wait3A_531, %dma_wait3A_532] : memref<2x32x1024xf32, #tpu.memory_space<vmem>> -> memref<1x32x1024xf32, #tpu.memory_space<vmem>>
    %dma_wait3A_534 = tpu.memref_squeeze %dma_wait3A_533 : memref<1x32x1024xf32, #tpu.memory_space<vmem>> -> memref<32x1024xf32, #tpu.memory_space<vmem>>
    tpu.wait_dma2 semaphore(%arg6 : memref<!tpu.dma_semaphore, #tpu.memory_space<semaphore_mem>>) src(%dma_wait3A_534 : memref<32x1024xf32, #tpu.memory_space<vmem>>) dst(%dma_wait3A_530 : memref<32x1024xf32, #tpu.memory_space<hbm>>)
    %add3A_535 = arith.constant 64 : i32
    %add3A_536 = arith.addi %mul3A_2, %add3A_535 : i32
    %dma_wait3A_537 = arith.constant 0 : i32
    %dma_wait3A_538 = arith.constant 3 : i32
    %dma_wait3A_539 = arith.constant 0 : i32
    %dma_wait3A_540 = arith.constant 0 : i32
    %dma_wait3A_541 = tpu.memref_slice %arg4[%dma_wait3A_537, %dma_wait3A_539, %dma_wait3A_540] : memref<2x32x1024xf32, #tpu.memory_space<vmem>> -> memref<1x32x1024xf32, #tpu.memory_space<vmem>>
    %dma_wait3A_542 = tpu.memref_squeeze %dma_wait3A_541 : memref<1x32x1024xf32, #tpu.memory_space<vmem>> -> memref<32x1024xf32, #tpu.memory_space<vmem>>
    %dma_wait3A_543 = arith.constant 0 : i32
    %dma_wait3A_544 = tpu.memref_slice %arg3[%dma_wait3A_538, %add3A_536, %dma_wait3A_543] : memref<4x4096x1024xf32, #tpu.memory_space<hbm>> -> memref<1x32x1024xf32, #tpu.memory_space<hbm>>
    %dma_wait3A_545 = tpu.memref_squeeze %dma_wait3A_544 : memref<1x32x1024xf32, #tpu.memory_space<hbm>> -> memref<32x1024xf32, #tpu.memory_space<hbm>>
    %dma_wait3A_546 = arith.constant 0 : i32
    %dma_wait3A_547 = tpu.memref_slice %arg3[%dma_wait3A_538, %add3A_536, %dma_wait3A_546] : memref<4x4096x1024xf32, #tpu.memory_space<hbm>> -> memref<1x32x1024xf32, #tpu.memory_space<hbm>>
    %dma_wait3A_548 = tpu.memref_squeeze %dma_wait3A_547 : memref<1x32x1024xf32, #tpu.memory_space<hbm>> -> memref<32x1024xf32, #tpu.memory_space<hbm>>
    %dma_wait3A_549 = arith.constant 0 : i32
    %dma_wait3A_550 = arith.constant 0 : i32
    %dma_wait3A_551 = tpu.memref_slice %arg4[%dma_wait3A_537, %dma_wait3A_549, %dma_wait3A_550] : memref<2x32x1024xf32, #tpu.memory_space<vmem>> -> memref<1x32x1024xf32, #tpu.memory_space<vmem>>
    %dma_wait3A_552 = tpu.memref_squeeze %dma_wait3A_551 : memref<1x32x1024xf32, #tpu.memory_space<vmem>> -> memref<32x1024xf32, #tpu.memory_space<vmem>>
    tpu.wait_dma2 semaphore(%arg6 : memref<!tpu.dma_semaphore, #tpu.memory_space<semaphore_mem>>) src(%dma_wait3A_552 : memref<32x1024xf32, #tpu.memory_space<vmem>>) dst(%dma_wait3A_548 : memref<32x1024xf32, #tpu.memory_space<hbm>>)
    %add3A_553 = arith.constant 96 : i32
    %add3A_554 = arith.addi %mul3A_2, %add3A_553 : i32
    %dma_start3A_555 = arith.constant 1 : i32
    %dma_start3A_556 = arith.constant 0 : i32
    %dma_start3A_557 = arith.constant 0 : i32
    %dma_start3A_558 = arith.constant 0 : i32
    %dma_start3A_559 = tpu.memref_slice %arg4[%dma_start3A_555, %dma_start3A_557, %dma_start3A_558] : memref<2x32x1024xf32, #tpu.memory_space<vmem>> -> memref<1x32x1024xf32, #tpu.memory_space<vmem>>
    %dma_start3A_560 = tpu.memref_squeeze %dma_start3A_559 : memref<1x32x1024xf32, #tpu.memory_space<vmem>> -> memref<32x1024xf32, #tpu.memory_space<vmem>>
    %dma_start3A_561 = arith.constant 0 : i32
    %dma_start3A_562 = tpu.memref_slice %arg3[%dma_start3A_556, %add3A_554, %dma_start3A_561] : memref<4x4096x1024xf32, #tpu.memory_space<hbm>> -> memref<1x32x1024xf32, #tpu.memory_space<hbm>>
    %dma_start3A_563 = tpu.memref_squeeze %dma_start3A_562 : memref<1x32x1024xf32, #tpu.memory_space<hbm>> -> memref<32x1024xf32, #tpu.memory_space<hbm>>
    %dma_start3A_564 = arith.constant 0 : i32
    %dma_start3A_565 = tpu.memref_slice %arg3[%dma_start3A_556, %add3A_554, %dma_start3A_564] : memref<4x4096x1024xf32, #tpu.memory_space<hbm>> -> memref<1x32x1024xf32, #tpu.memory_space<hbm>>
    %dma_start3A_566 = tpu.memref_squeeze %dma_start3A_565 : memref<1x32x1024xf32, #tpu.memory_space<hbm>> -> memref<32x1024xf32, #tpu.memory_space<hbm>>
    %dma_start3A_567 = arith.constant 0 : i32
    %dma_start3A_568 = arith.constant 0 : i32
    %dma_start3A_569 = tpu.memref_slice %arg4[%dma_start3A_555, %dma_start3A_567, %dma_start3A_568] : memref<2x32x1024xf32, #tpu.memory_space<vmem>> -> memref<1x32x1024xf32, #tpu.memory_space<vmem>>
    %dma_start3A_570 = tpu.memref_squeeze %dma_start3A_569 : memref<1x32x1024xf32, #tpu.memory_space<vmem>> -> memref<32x1024xf32, #tpu.memory_space<vmem>>
    tpu.enqueue_dma source(%dma_start3A_570 : memref<32x1024xf32, #tpu.memory_space<vmem>>) target(%dma_start3A_566 : memref<32x1024xf32, #tpu.memory_space<hbm>>) target_semaphore(%arg6 : memref<!tpu.dma_semaphore, #tpu.memory_space<semaphore_mem>>)
    %add3A_571 = arith.constant 96 : i32
    %add3A_572 = arith.addi %mul3A_2, %add3A_571 : i32
    %dma_start3A_573 = arith.constant 1 : i32
    %dma_start3A_574 = arith.constant 1 : i32
    %dma_start3A_575 = arith.constant 0 : i32
    %dma_start3A_576 = arith.constant 0 : i32
    %dma_start3A_577 = tpu.memref_slice %arg4[%dma_start3A_573, %dma_start3A_575, %dma_start3A_576] : memref<2x32x1024xf32, #tpu.memory_space<vmem>> -> memref<1x32x1024xf32, #tpu.memory_space<vmem>>
    %dma_start3A_578 = tpu.memref_squeeze %dma_start3A_577 : memref<1x32x1024xf32, #tpu.memory_space<vmem>> -> memref<32x1024xf32, #tpu.memory_space<vmem>>
    %dma_start3A_579 = arith.constant 0 : i32
    %dma_start3A_580 = tpu.memref_slice %arg3[%dma_start3A_574, %add3A_572, %dma_start3A_579] : memref<4x4096x1024xf32, #tpu.memory_space<hbm>> -> memref<1x32x1024xf32, #tpu.memory_space<hbm>>
    %dma_start3A_581 = tpu.memref_squeeze %dma_start3A_580 : memref<1x32x1024xf32, #tpu.memory_space<hbm>> -> memref<32x1024xf32, #tpu.memory_space<hbm>>
    %dma_start3A_582 = arith.constant 0 : i32
    %dma_start3A_583 = tpu.memref_slice %arg3[%dma_start3A_574, %add3A_572, %dma_start3A_582] : memref<4x4096x1024xf32, #tpu.memory_space<hbm>> -> memref<1x32x1024xf32, #tpu.memory_space<hbm>>
    %dma_start3A_584 = tpu.memref_squeeze %dma_start3A_583 : memref<1x32x1024xf32, #tpu.memory_space<hbm>> -> memref<32x1024xf32, #tpu.memory_space<hbm>>
    %dma_start3A_585 = arith.constant 0 : i32
    %dma_start3A_586 = arith.constant 0 : i32
    %dma_start3A_587 = tpu.memref_slice %arg4[%dma_start3A_573, %dma_start3A_585, %dma_start3A_586] : memref<2x32x1024xf32, #tpu.memory_space<vmem>> -> memref<1x32x1024xf32, #tpu.memory_space<vmem>>
    %dma_start3A_588 = tpu.memref_squeeze %dma_start3A_587 : memref<1x32x1024xf32, #tpu.memory_space<vmem>> -> memref<32x1024xf32, #tpu.memory_space<vmem>>
    tpu.enqueue_dma source(%dma_start3A_588 : memref<32x1024xf32, #tpu.memory_space<vmem>>) target(%dma_start3A_584 : memref<32x1024xf32, #tpu.memory_space<hbm>>) target_semaphore(%arg6 : memref<!tpu.dma_semaphore, #tpu.memory_space<semaphore_mem>>)
    %add3A_589 = arith.constant 96 : i32
    %add3A_590 = arith.addi %mul3A_2, %add3A_589 : i32
    %dma_start3A_591 = arith.constant 1 : i32
    %dma_start3A_592 = arith.constant 2 : i32
    %dma_start3A_593 = arith.constant 0 : i32
    %dma_start3A_594 = arith.constant 0 : i32
    %dma_start3A_595 = tpu.memref_slice %arg4[%dma_start3A_591, %dma_start3A_593, %dma_start3A_594] : memref<2x32x1024xf32, #tpu.memory_space<vmem>> -> memref<1x32x1024xf32, #tpu.memory_space<vmem>>
    %dma_start3A_596 = tpu.memref_squeeze %dma_start3A_595 : memref<1x32x1024xf32, #tpu.memory_space<vmem>> -> memref<32x1024xf32, #tpu.memory_space<vmem>>
    %dma_start3A_597 = arith.constant 0 : i32
    %dma_start3A_598 = tpu.memref_slice %arg3[%dma_start3A_592, %add3A_590, %dma_start3A_597] : memref<4x4096x1024xf32, #tpu.memory_space<hbm>> -> memref<1x32x1024xf32, #tpu.memory_space<hbm>>
    %dma_start3A_599 = tpu.memref_squeeze %dma_start3A_598 : memref<1x32x1024xf32, #tpu.memory_space<hbm>> -> memref<32x1024xf32, #tpu.memory_space<hbm>>
    %dma_start3A_600 = arith.constant 0 : i32
    %dma_start3A_601 = tpu.memref_slice %arg3[%dma_start3A_592, %add3A_590, %dma_start3A_600] : memref<4x4096x1024xf32, #tpu.memory_space<hbm>> -> memref<1x32x1024xf32, #tpu.memory_space<hbm>>
    %dma_start3A_602 = tpu.memref_squeeze %dma_start3A_601 : memref<1x32x1024xf32, #tpu.memory_space<hbm>> -> memref<32x1024xf32, #tpu.memory_space<hbm>>
    %dma_start3A_603 = arith.constant 0 : i32
    %dma_start3A_604 = arith.constant 0 : i32
    %dma_start3A_605 = tpu.memref_slice %arg4[%dma_start3A_591, %dma_start3A_603, %dma_start3A_604] : memref<2x32x1024xf32, #tpu.memory_space<vmem>> -> memref<1x32x1024xf32, #tpu.memory_space<vmem>>
    %dma_start3A_606 = tpu.memref_squeeze %dma_start3A_605 : memref<1x32x1024xf32, #tpu.memory_space<vmem>> -> memref<32x1024xf32, #tpu.memory_space<vmem>>
    tpu.enqueue_dma source(%dma_start3A_606 : memref<32x1024xf32, #tpu.memory_space<vmem>>) target(%dma_start3A_602 : memref<32x1024xf32, #tpu.memory_space<hbm>>) target_semaphore(%arg6 : memref<!tpu.dma_semaphore, #tpu.memory_space<semaphore_mem>>)
    %add3A_607 = arith.constant 96 : i32
    %add3A_608 = arith.addi %mul3A_2, %add3A_607 : i32
    %dma_start3A_609 = arith.constant 1 : i32
    %dma_start3A_610 = arith.constant 3 : i32
    %dma_start3A_611 = arith.constant 0 : i32
    %dma_start3A_612 = arith.constant 0 : i32
    %dma_start3A_613 = tpu.memref_slice %arg4[%dma_start3A_609, %dma_start3A_611, %dma_start3A_612] : memref<2x32x1024xf32, #tpu.memory_space<vmem>> -> memref<1x32x1024xf32, #tpu.memory_space<vmem>>
    %dma_start3A_614 = tpu.memref_squeeze %dma_start3A_613 : memref<1x32x1024xf32, #tpu.memory_space<vmem>> -> memref<32x1024xf32, #tpu.memory_space<vmem>>
    %dma_start3A_615 = arith.constant 0 : i32
    %dma_start3A_616 = tpu.memref_slice %arg3[%dma_start3A_610, %add3A_608, %dma_start3A_615] : memref<4x4096x1024xf32, #tpu.memory_space<hbm>> -> memref<1x32x1024xf32, #tpu.memory_space<hbm>>
    %dma_start3A_617 = tpu.memref_squeeze %dma_start3A_616 : memref<1x32x1024xf32, #tpu.memory_space<hbm>> -> memref<32x1024xf32, #tpu.memory_space<hbm>>
    %dma_start3A_618 = arith.constant 0 : i32
    %dma_start3A_619 = tpu.memref_slice %arg3[%dma_start3A_610, %add3A_608, %dma_start3A_618] : memref<4x4096x1024xf32, #tpu.memory_space<hbm>> -> memref<1x32x1024xf32, #tpu.memory_space<hbm>>
    %dma_start3A_620 = tpu.memref_squeeze %dma_start3A_619 : memref<1x32x1024xf32, #tpu.memory_space<hbm>> -> memref<32x1024xf32, #tpu.memory_space<hbm>>
    %dma_start3A_621 = arith.constant 0 : i32
    %dma_start3A_622 = arith.constant 0 : i32
    %dma_start3A_623 = tpu.memref_slice %arg4[%dma_start3A_609, %dma_start3A_621, %dma_start3A_622] : memref<2x32x1024xf32, #tpu.memory_space<vmem>> -> memref<1x32x1024xf32, #tpu.memory_space<vmem>>
    %dma_start3A_624 = tpu.memref_squeeze %dma_start3A_623 : memref<1x32x1024xf32, #tpu.memory_space<vmem>> -> memref<32x1024xf32, #tpu.memory_space<vmem>>
    tpu.enqueue_dma source(%dma_start3A_624 : memref<32x1024xf32, #tpu.memory_space<vmem>>) target(%dma_start3A_620 : memref<32x1024xf32, #tpu.memory_space<hbm>>) target_semaphore(%arg6 : memref<!tpu.dma_semaphore, #tpu.memory_space<semaphore_mem>>)
    %add3A_625 = arith.constant 96 : i32
    %add3A_626 = arith.addi %mul3A_2, %add3A_625 : i32
    %dma_wait3A_627 = arith.constant 1 : i32
    %dma_wait3A_628 = arith.constant 0 : i32
    %dma_wait3A_629 = arith.constant 0 : i32
    %dma_wait3A_630 = arith.constant 0 : i32
    %dma_wait3A_631 = tpu.memref_slice %arg4[%dma_wait3A_627, %dma_wait3A_629, %dma_wait3A_630] : memref<2x32x1024xf32, #tpu.memory_space<vmem>> -> memref<1x32x1024xf32, #tpu.memory_space<vmem>>
    %dma_wait3A_632 = tpu.memref_squeeze %dma_wait3A_631 : memref<1x32x1024xf32, #tpu.memory_space<vmem>> -> memref<32x1024xf32, #tpu.memory_space<vmem>>
    %dma_wait3A_633 = arith.constant 0 : i32
    %dma_wait3A_634 = tpu.memref_slice %arg3[%dma_wait3A_628, %add3A_626, %dma_wait3A_633] : memref<4x4096x1024xf32, #tpu.memory_space<hbm>> -> memref<1x32x1024xf32, #tpu.memory_space<hbm>>
    %dma_wait3A_635 = tpu.memref_squeeze %dma_wait3A_634 : memref<1x32x1024xf32, #tpu.memory_space<hbm>> -> memref<32x1024xf32, #tpu.memory_space<hbm>>
    %dma_wait3A_636 = arith.constant 0 : i32
    %dma_wait3A_637 = tpu.memref_slice %arg3[%dma_wait3A_628, %add3A_626, %dma_wait3A_636] : memref<4x4096x1024xf32, #tpu.memory_space<hbm>> -> memref<1x32x1024xf32, #tpu.memory_space<hbm>>
    %dma_wait3A_638 = tpu.memref_squeeze %dma_wait3A_637 : memref<1x32x1024xf32, #tpu.memory_space<hbm>> -> memref<32x1024xf32, #tpu.memory_space<hbm>>
    %dma_wait3A_639 = arith.constant 0 : i32
    %dma_wait3A_640 = arith.constant 0 : i32
    %dma_wait3A_641 = tpu.memref_slice %arg4[%dma_wait3A_627, %dma_wait3A_639, %dma_wait3A_640] : memref<2x32x1024xf32, #tpu.memory_space<vmem>> -> memref<1x32x1024xf32, #tpu.memory_space<vmem>>
    %dma_wait3A_642 = tpu.memref_squeeze %dma_wait3A_641 : memref<1x32x1024xf32, #tpu.memory_space<vmem>> -> memref<32x1024xf32, #tpu.memory_space<vmem>>
    tpu.wait_dma2 semaphore(%arg6 : memref<!tpu.dma_semaphore, #tpu.memory_space<semaphore_mem>>) src(%dma_wait3A_642 : memref<32x1024xf32, #tpu.memory_space<vmem>>) dst(%dma_wait3A_638 : memref<32x1024xf32, #tpu.memory_space<hbm>>)
    %add3A_643 = arith.constant 96 : i32
    %add3A_644 = arith.addi %mul3A_2, %add3A_643 : i32
    %dma_wait3A_645 = arith.constant 1 : i32
    %dma_wait3A_646 = arith.constant 1 : i32
    %dma_wait3A_647 = arith.constant 0 : i32
    %dma_wait3A_648 = arith.constant 0 : i32
    %dma_wait3A_649 = tpu.memref_slice %arg4[%dma_wait3A_645, %dma_wait3A_647, %dma_wait3A_648] : memref<2x32x1024xf32, #tpu.memory_space<vmem>> -> memref<1x32x1024xf32, #tpu.memory_space<vmem>>
    %dma_wait3A_650 = tpu.memref_squeeze %dma_wait3A_649 : memref<1x32x1024xf32, #tpu.memory_space<vmem>> -> memref<32x1024xf32, #tpu.memory_space<vmem>>
    %dma_wait3A_651 = arith.constant 0 : i32
    %dma_wait3A_652 = tpu.memref_slice %arg3[%dma_wait3A_646, %add3A_644, %dma_wait3A_651] : memref<4x4096x1024xf32, #tpu.memory_space<hbm>> -> memref<1x32x1024xf32, #tpu.memory_space<hbm>>
    %dma_wait3A_653 = tpu.memref_squeeze %dma_wait3A_652 : memref<1x32x1024xf32, #tpu.memory_space<hbm>> -> memref<32x1024xf32, #tpu.memory_space<hbm>>
    %dma_wait3A_654 = arith.constant 0 : i32
    %dma_wait3A_655 = tpu.memref_slice %arg3[%dma_wait3A_646, %add3A_644, %dma_wait3A_654] : memref<4x4096x1024xf32, #tpu.memory_space<hbm>> -> memref<1x32x1024xf32, #tpu.memory_space<hbm>>
    %dma_wait3A_656 = tpu.memref_squeeze %dma_wait3A_655 : memref<1x32x1024xf32, #tpu.memory_space<hbm>> -> memref<32x1024xf32, #tpu.memory_space<hbm>>
    %dma_wait3A_657 = arith.constant 0 : i32
    %dma_wait3A_658 = arith.constant 0 : i32
    %dma_wait3A_659 = tpu.memref_slice %arg4[%dma_wait3A_645, %dma_wait3A_657, %dma_wait3A_658] : memref<2x32x1024xf32, #tpu.memory_space<vmem>> -> memref<1x32x1024xf32, #tpu.memory_space<vmem>>
    %dma_wait3A_660 = tpu.memref_squeeze %dma_wait3A_659 : memref<1x32x1024xf32, #tpu.memory_space<vmem>> -> memref<32x1024xf32, #tpu.memory_space<vmem>>
    tpu.wait_dma2 semaphore(%arg6 : memref<!tpu.dma_semaphore, #tpu.memory_space<semaphore_mem>>) src(%dma_wait3A_660 : memref<32x1024xf32, #tpu.memory_space<vmem>>) dst(%dma_wait3A_656 : memref<32x1024xf32, #tpu.memory_space<hbm>>)
    %add3A_661 = arith.constant 96 : i32
    %add3A_662 = arith.addi %mul3A_2, %add3A_661 : i32
    %dma_wait3A_663 = arith.constant 1 : i32
    %dma_wait3A_664 = arith.constant 2 : i32
    %dma_wait3A_665 = arith.constant 0 : i32
    %dma_wait3A_666 = arith.constant 0 : i32
    %dma_wait3A_667 = tpu.memref_slice %arg4[%dma_wait3A_663, %dma_wait3A_665, %dma_wait3A_666] : memref<2x32x1024xf32, #tpu.memory_space<vmem>> -> memref<1x32x1024xf32, #tpu.memory_space<vmem>>
    %dma_wait3A_668 = tpu.memref_squeeze %dma_wait3A_667 : memref<1x32x1024xf32, #tpu.memory_space<vmem>> -> memref<32x1024xf32, #tpu.memory_space<vmem>>
    %dma_wait3A_669 = arith.constant 0 : i32
    %dma_wait3A_670 = tpu.memref_slice %arg3[%dma_wait3A_664, %add3A_662, %dma_wait3A_669] : memref<4x4096x1024xf32, #tpu.memory_space<hbm>> -> memref<1x32x1024xf32, #tpu.memory_space<hbm>>
    %dma_wait3A_671 = tpu.memref_squeeze %dma_wait3A_670 : memref<1x32x1024xf32, #tpu.memory_space<hbm>> -> memref<32x1024xf32, #tpu.memory_space<hbm>>
    %dma_wait3A_672 = arith.constant 0 : i32
    %dma_wait3A_673 = tpu.memref_slice %arg3[%dma_wait3A_664, %add3A_662, %dma_wait3A_672] : memref<4x4096x1024xf32, #tpu.memory_space<hbm>> -> memref<1x32x1024xf32, #tpu.memory_space<hbm>>
    %dma_wait3A_674 = tpu.memref_squeeze %dma_wait3A_673 : memref<1x32x1024xf32, #tpu.memory_space<hbm>> -> memref<32x1024xf32, #tpu.memory_space<hbm>>
    %dma_wait3A_675 = arith.constant 0 : i32
    %dma_wait3A_676 = arith.constant 0 : i32
    %dma_wait3A_677 = tpu.memref_slice %arg4[%dma_wait3A_663, %dma_wait3A_675, %dma_wait3A_676] : memref<2x32x1024xf32, #tpu.memory_space<vmem>> -> memref<1x32x1024xf32, #tpu.memory_space<vmem>>
    %dma_wait3A_678 = tpu.memref_squeeze %dma_wait3A_677 : memref<1x32x1024xf32, #tpu.memory_space<vmem>> -> memref<32x1024xf32, #tpu.memory_space<vmem>>
    tpu.wait_dma2 semaphore(%arg6 : memref<!tpu.dma_semaphore, #tpu.memory_space<semaphore_mem>>) src(%dma_wait3A_678 : memref<32x1024xf32, #tpu.memory_space<vmem>>) dst(%dma_wait3A_674 : memref<32x1024xf32, #tpu.memory_space<hbm>>)
    %add3A_679 = arith.constant 96 : i32
    %add3A_680 = arith.addi %mul3A_2, %add3A_679 : i32
    %dma_wait3A_681 = arith.constant 1 : i32
    %dma_wait3A_682 = arith.constant 3 : i32
    %dma_wait3A_683 = arith.constant 0 : i32
    %dma_wait3A_684 = arith.constant 0 : i32
    %dma_wait3A_685 = tpu.memref_slice %arg4[%dma_wait3A_681, %dma_wait3A_683, %dma_wait3A_684] : memref<2x32x1024xf32, #tpu.memory_space<vmem>> -> memref<1x32x1024xf32, #tpu.memory_space<vmem>>
    %dma_wait3A_686 = tpu.memref_squeeze %dma_wait3A_685 : memref<1x32x1024xf32, #tpu.memory_space<vmem>> -> memref<32x1024xf32, #tpu.memory_space<vmem>>
    %dma_wait3A_687 = arith.constant 0 : i32
    %dma_wait3A_688 = tpu.memref_slice %arg3[%dma_wait3A_682, %add3A_680, %dma_wait3A_687] : memref<4x4096x1024xf32, #tpu.memory_space<hbm>> -> memref<1x32x1024xf32, #tpu.memory_space<hbm>>
    %dma_wait3A_689 = tpu.memref_squeeze %dma_wait3A_688 : memref<1x32x1024xf32, #tpu.memory_space<hbm>> -> memref<32x1024xf32, #tpu.memory_space<hbm>>
    %dma_wait3A_690 = arith.constant 0 : i32
    %dma_wait3A_691 = tpu.memref_slice %arg3[%dma_wait3A_682, %add3A_680, %dma_wait3A_690] : memref<4x4096x1024xf32, #tpu.memory_space<hbm>> -> memref<1x32x1024xf32, #tpu.memory_space<hbm>>
    %dma_wait3A_692 = tpu.memref_squeeze %dma_wait3A_691 : memref<1x32x1024xf32, #tpu.memory_space<hbm>> -> memref<32x1024xf32, #tpu.memory_space<hbm>>
    %dma_wait3A_693 = arith.constant 0 : i32
    %dma_wait3A_694 = arith.constant 0 : i32
    %dma_wait3A_695 = tpu.memref_slice %arg4[%dma_wait3A_681, %dma_wait3A_693, %dma_wait3A_694] : memref<2x32x1024xf32, #tpu.memory_space<vmem>> -> memref<1x32x1024xf32, #tpu.memory_space<vmem>>
    %dma_wait3A_696 = tpu.memref_squeeze %dma_wait3A_695 : memref<1x32x1024xf32, #tpu.memory_space<vmem>> -> memref<32x1024xf32, #tpu.memory_space<vmem>>
    tpu.wait_dma2 semaphore(%arg6 : memref<!tpu.dma_semaphore, #tpu.memory_space<semaphore_mem>>) src(%dma_wait3A_696 : memref<32x1024xf32, #tpu.memory_space<vmem>>) dst(%dma_wait3A_692 : memref<32x1024xf32, #tpu.memory_space<hbm>>)
    return
  }
}

</mosaic_0001>

<sc_bundles>
// kernel: kernel.3.cloned.1.call-start
scs
__scs_entry_jumppad:
0x0: {  	(pc) =	sbr.rel $0x88, $3  }
0x1: {  	(tag) =	ssettag $0x0;
	lr =	simm.s32 $0x1  }
0x2: {  	[smem:$0x3FA0] =	sst lr;
	_ =	strace $0xD0000000  }
0x3: {  	_ = 	snop  }
0x4: {  	_ = 	snop  }
0x5: {  	_ = 	snop  }
0x6: {  	_ = 	snop  }
0x7: {  	_ = 	snop  }
__scs_overlays_trampoline_lowered:
0x8: {  	[smem:$0x3FAF] =	sst s0  }
0x9: {  	[smem:$0x3FB0] =	sst s1  }
0xa: {  	[smem:$0x3FB1] =	sst s2  }
0xb: {  	[smem:$0x3FB2] =	sst s3  }
0xc: {  	[smem:$0x3FB3] =	sst s4  }
0xd: {  	[smem:$0x3FB4] =	sst s5  }
0xe: {  	[smem:$0x3FB5] =	sst s6  }
0xf: {  	[smem:$0x3FB6] =	sst s7  }
0x10: {  	[smem:$0x3FB7] =	sst s8  }
0x11: {  	[smem:$0x3FB8] =	sst s9;
	s0 =	simm.s32 @!p0 $0x0  }
0x12: {  	s1 =	sld [smem:$0x3F9E];
	s0 =	simm.s32 @p0 $0x1  }
0x13: {  	[smem:$0x3FB9] =	sst s0;
	s0 =	simm.s32 @!p1 $0x0  }
0x14: {  	s2 =	sld [smem:$0x3F9D];
	s0 =	simm.s32 @p1 $0x1  }
0x15: {  	[smem:$0x3FBA] =	sst s0;
	s0 =	simm.s32 @!p2 $0x0  }
0x16: {  	s3 =	sld [smem:$0x3FDB];
	s0 =	simm.s32 @p2 $0x1  }
0x17: {  	s4 =	simm.s32 $0x1BF5;
	[smem:$0x3FBC] =	sst s0  }
0x18: {  	s0 =	sld [smem:$0x3F9F];
	_ =	swait.ge [sflag:s4], $0x0  }
0x19: {  	s7 =	sld [smem:$0x3FA0]  }
0x1a: {  	s8 =	sadd.s32 $0xFFFFE003, lr  }
0x1b: {  	s9 =	sadd.s32 $0xFFFFFEF7, lr;
	s5 =	simm.s32 $0xFFFFFFFF;
	p2 =	slt.u32 s8, $0xFFFFF086  }
0x1c: {  	p1 =	slt.u32 s9, $0xF7A;
	s5 =	simm.s32 @!p2 $0x0  }
0x1d: {  	s5 =	simm.s32 @p1 $0x1;
	p0 =	seq.s32 s7, s2  }
0x1e: {  	s7 =	smul.u32 @!p0 $0xF7A, s2;
	p2 =	seq.s32 @!p0 s5, $0x0  }
0x1f: {  	s9 =	smul.u32 $0xF7A, s1;
	s8 =	simm.s32 @!p0 $0x1BF5;
	p2 =	por !p2, p0  }
0x20: {  	[sflag:s8] =	ssyncset.s32 @!p0 $0xFFFFF086;
	s6 =	sadd.s32 @!p0 s3, s7;
	s7 =	simm.s32 @!p0 $0x108  }
0x21: {  	s3 =	sadd.s32 s3, s9;
	s6 =	sadd.s32 @!p0 $0x88, s6;
	s7 =	simm.s32 @p2 $0x1082  }
0x22: {  	[simem:s7], [sflag:s8] =	dma.local @!p0 [hbm:s6], $0xF7A  }
0x23: {  	s9 =	sor.u32 $0xD0000000, s2;
	s6 =	simm.s32 $0x108;
	_ =	swait.ge @!p0 [sflag:s8], $0x0  }
0x24: {  	s3 =	sadd.s32 $0x88, s3;
	s6 =	simm.s32 @!p1 $0x1082;
	[sflag:s4] =	ssyncset.s32 $0xFFFFF086  }
0x25: {  	[simem:s6], [sflag:s4] =	dma.local [hbm:s3], $0xF7A  }
0x26: {  	[smem:$0x3FA0] =	sst s1;
	(tag) =	ssettag s2;
	_ =	strace s9  }
0x27: {  	s1 =	sld [smem:$0x3FB0]  }
0x28: {  	s2 =	sld [smem:$0x3FB1]  }
0x29: {  	s4 =	sld [smem:$0x3FB3]  }
0x2a: {  	p0 =	seq.s32 s5, $0x0;
	s5 =	sld [smem:$0x3FB4]  }
0x2b: {  	s6 =	sld [smem:$0x3FB5]  }
0x2c: {  	s7 =	sld [smem:$0x3FB6]  }
0x2d: {  	s3 =	simm.s32 $0x108;
	s8 =	sld [smem:$0x3FB7]  }
0x2e: {  	s3 =	simm.s32 @!p0 $0x1082;
	s9 =	sld [smem:$0x3FB8]  }
0x2f: {  	lr =	sadd.s32 s0, s3;
	s0 =	sld [smem:$0x3FAF]  }
0x30: {  	s3 =	sld [smem:$0x3FB2]  }
0x31: {  	[smem:$0x3FBB] =	sst s10  }
0x32: {  	s10 =	sld [smem:$0x3FB9];
	_ =	sdelay $0x3  }
0x33: {  	p0 =	seq.s32 s10, $0x1;
	s10 =	sld [smem:$0x3FBB];
	_ =	sdelay $0x3  }
0x34: {  	[smem:$0x3FBB] =	sst s10  }
0x35: {  	s10 =	sld [smem:$0x3FBA];
	_ =	sdelay $0x3  }
0x36: {  	p1 =	seq.s32 s10, $0x1;
	s10 =	sld [smem:$0x3FBB];
	_ =	sdelay $0x3  }
0x37: {  	[smem:$0x3FBB] =	sst s10  }
0x38: {  	s10 =	sld [smem:$0x3FBC]  }
0x39: {  	_ = 	snop;
	(pc) =	sbr.ind lr, $3  }
0x3a: {  	_ = 	snop  }
0x3b: {  	_ = 	snop  }
0x3c: {  	p2 =	seq.s32 s10, $0x1;
	s10 =	sld [smem:$0x3FBB]  }
0x3d: {  	_ =	shalt  }
0x3e: {  	_ =	shalt  }
0x3f: {  	_ =	shalt  }
0x40: {  	_ =	shalt  }
0x41: {  	_ =	shalt  }
0x42: {  	_ =	shalt  }
0x43: {  	_ =	shalt  }
0x44: {  	_ =	shalt  }
0x45: {  	_ =	shalt  }
0x46: {  	_ =	shalt  }
0x47: {  	_ =	shalt  }
0x48: {  	_ =	shalt  }
0x49: {  	_ =	shalt  }
0x4a: {  	_ =	shalt  }
0x4b: {  	_ =	shalt  }
0x4c: {  	_ =	shalt  }
0x4d: {  	_ =	shalt  }
0x4e: {  	_ =	shalt  }
0x4f: {  	_ =	shalt  }
0x50: {  	_ =	shalt  }
0x51: {  	_ =	shalt  }
0x52: {  	_ =	shalt  }
0x53: {  	_ =	shalt  }
0x54: {  	_ =	shalt  }
0x55: {  	_ =	shalt  }
0x56: {  	_ =	shalt  }
0x57: {  	_ =	shalt  }
0x58: {  	_ =	shalt  }
0x59: {  	_ =	shalt  }
0x5a: {  	_ =	shalt  }
0x5b: {  	_ =	shalt  }
0x5c: {  	_ =	shalt  }
0x5d: {  	_ =	shalt  }
0x5e: {  	_ =	shalt  }
0x5f: {  	_ =	shalt  }
0x60: {  	_ =	shalt  }
0x61: {  	_ =	shalt  }
0x62: {  	_ =	shalt  }
0x63: {  	_ =	shalt  }
0x64: {  	_ =	shalt  }
0x65: {  	_ =	shalt  }
0x66: {  	_ =	shalt  }
0x67: {  	_ =	shalt  }
0x68: {  	_ =	shalt  }
0x69: {  	_ =	shalt  }
0x6a: {  	_ =	shalt  }
0x6b: {  	_ =	shalt  }
0x6c: {  	_ =	shalt  }
0x6d: {  	_ =	shalt  }
0x6e: {  	_ =	shalt  }
0x6f: {  	_ =	shalt  }
0x70: {  	_ =	shalt  }
0x71: {  	_ =	shalt  }
0x72: {  	_ =	shalt  }
0x73: {  	_ =	shalt  }
0x74: {  	_ =	shalt  }
0x75: {  	_ =	shalt  }
0x76: {  	_ =	shalt  }
0x77: {  	_ =	shalt  }
0x78: {  	_ =	shalt  }
0x79: {  	_ =	shalt  }
0x7a: {  	_ =	shalt  }
0x7b: {  	_ =	shalt  }
0x7c: {  	_ =	shalt  }
0x7d: {  	_ =	shalt  }
0x7e: {  	_ =	shalt  }
0x7f: {  	_ =	shalt  }
0x80: {  	_ =	shalt  }
0x81: {  	_ =	shalt  }
0x82: {  	_ =	shalt  }
0x83: {  	_ =	shalt  }
0x84: {  	_ =	shalt  }
0x85: {  	_ =	shalt  }
0x86: {  	_ =	shalt  }
0x87: {  	_ =	shalt  }
.Lfunc_end0:
.L_simem_size_0:
called_computation_lowered:
.L_overlay_start_0:
0x88: {  	s2 =	sld [smem:$0x3FD9]  }
0x89: {  	s3 =	sld [smem:$0x3FFE];
	_ =	sdelay $0x1  }
0x8a: {  	s1 =	srdreg.scid  }
0x8b: {  	s0 =	sand.u32 $0x1, s1  }
0x8c: {  	s18 =	sshll.u32 s0, $0xA;
	s2 =	sadd.s32 s3, s2  }
0x8d: {  	s2 =	sadd.s32 s2, s18  }
0x8e: {  	[smem:$0x3FC7] =	sst s2  }
0x8f: {  	_ = 	snop  }
0x90: {  	s2 =	sld [smem:$0x3FC9]  }
0x91: {  	s19 =	sld [smem:$0x3FD0];
	(tm) =	ssettm $0x1  }
0x92: {  	s4 =	sld [smem:$0x3FFB];
	_ =	sdelay $0x3  }
0x93: {  	_ =	strace s4  }
0x94: {  	s4 =	sld [smem:$0x3FFC];
	_ =	sdelay $0x3  }
0x95: {  	_ =	strace s4  }
0x96: {  	s4 =	sld [smem:$0x3FFD];
	_ =	sdelay $0x3  }
0x97: {  	_ =	strace s4  }
0x98: {  	_ =	strace $0x8FFFFFFF  }
0x99: {  	s20 =	sld [smem:$0x3FDB];
	_ =	sdelay $0x1  }
0x9a: {  	s5 =	simm.s32 $_scs_section_size  }
0x9b: {  	s6 =	simm.s32 $_size__tile_overlayer_lowered;
	s7 =	simm.s32 $_tile_overlayer_lowered  }
0x9c: {  	s23 =	simm.s32 $0x1BFF;
	s22 =	sshll.u32 s7, $0x1;
	s4 =	sadd.s32 s5, s20  }
0x9d: {  	s8 =	simm.s32 $0x0;
	s21 =	sshll.u32 s6, $0x1;
	s6 =	sadd.s32 s22, s4  }
0x9e: {  	[timem:s8], [sflag:s23] =	dma.local [hbm:s6], s21  }
0x9f: {  	_ =	swait.ge [sflag:s23], s21  }
0xa0: {  	s5 =	ssub.s32 $0x0, s21;
	[sflag:s23] =	ssyncset.done $0x0  }
0xa1: {  	[sflag:s23] =	ssyncadd.s32 s5;
	_ =	sdelay $0x1  }
0xa2: {  	s24 =	simm.s32 $0x1B8B  }
0xa3: {  	_ =	swait.ge [sflag:s24], $0x1  }
0xa4: {  	[sflag:s24] =	ssyncset.done $0x0  }
0xa5: {  	s25 =	simm.s32 $0x1B8E;
	[sflag:s24] =	ssyncadd.s32 $0xFFFFFFFF  }
0xa6: {  	s26 =	simm.s32 $execute0_lowered;
	[smem:$0x3FD2] =	sst s25  }
0xa7: {  	s5 =	sshll.u32 s26, $0x1;
	_ =	strace $0x80000046;
	[dreg:$0x1] =	wrdreg $0xFFFFFFFF  }
0xa8: {  	s28 =	simm.s32 $_size_execute0_lowered;
	s4 =	sadd.s32 s4, s5;
	[dreg:$0x0] =	wrdreg $0x0  }
0xa9: {  	s5 =	sshll.u32 s28, $0x1;
	[dreg:$0x2] =	wrdreg s4  }
0xaa: {  	[dreg:$0x3] =	wrdreg s5  }
0xab: {  	[dreg:$0x4] =	wrdreg $0xC0  }
0xac: {  	_ =	task [dreg:s8], $0x5FFFF  }
0xad: {  	[dreg:$0x1] =	wrdreg $0xFFFFFFFF  }
0xae: {  	[dreg:$0x0] =	wrdreg $0x60  }
0xaf: {  	[dreg:$0x2] =	wrdreg s2  }
0xb0: {  	[dreg:$0x3] =	wrdreg s19  }
0xb1: {  	[dreg:$0x4] =	wrdreg $0x9  }
0xb2: {  	_ =	task.clear_ibuf [dreg:s8], $0x5FFFF;
	_ =	strace $0x90000046  }
0xb3: {  	s29 =	simm.s32 $0x9;
	_ =	strace $0x80000048  }
0xb4: {  	_ =	swait.ge [sflag:s29], $0x1  }
0xb5: {  	[sflag:s29] =	ssyncadd.s32 $0xFFFFFFFF  }
0xb6: {  	_ =	strace $0x90000048  }
0xb7: {  	_ =	sfence  }
0xb8: {  	s30 =	sld [smem:$0x0];
	_ =	sdelay $0x2  }
0xb9: {  	s31 =	sshll.u32 s1, $0xD;
	s1 =	sshrl.u32 s1, $0x2  }
0xba: {  	s3 =	sand.u32 $0x4000, s31;
	s1 =	sadd.s32 s1, s30  }
0xbb: {  	s0 =	sor.u32 s3, s0;
	s1 =	sshll.u32 s1, $0x11  }
0xbc: {  	s0 =	sor.u32 s1, s0  }
0xbd: {  	s0 =	sadd.s32 $0x8F2B, s0  }
0xbe: {  	[sflag:s0] =	ssyncadd.remote.s32 $0x1  }
0xbf: {  	_ =	sfence.sel $0xFFFF  }
0xc0: {  	[dreg:$0x0] =	wrdreg $0xFFFFFFFF;
	(pc) =	sbr.abs _section_cstart, $3  }
0xc1: {  	[dreg:$0x1] =	wrdreg $0xFFFFFFFF  }
0xc2: {  	_ =	task.clear_ibuf [dreg:s8], $0x2FFFF;
	_ =	strace $0x9FFFFFFF  }
0xc3: {  	(tm) =	ssettm $0x7FFFFFFF  }
tec
execute0_lowered:
.L_overlay_start_1:
0x0: {  	(tag) =	ssettag $0x1  }
0x1: {  	s17 =	rddreg [dreg:$0x0]  }
0x2: {  	s22 =	rddreg [dreg:$0x1];
	s2 =	srdreg.scid  }
0x3: {  	s0 =	rddreg [dreg:$0x2];
	s1 =	stileid.u32;
	s26 =	sand.u32 $0x1, s2  }
0x4: {  	s2 =	simm.s32 $0x0;
	s3 =	sshll.u32 s1, $0xF;
	s4 =	sshll.u32 s26, $0xE  }
0x5: {  	[smem:$0x7FF] =	sst s2;
	s18 =	sor.u32 s4, s3  }
0x6: {  	_ =	strace $0x80000047;
	s4 =	simm.s32 $0x1;
	s3 =	sadd.s32 s17, s18  }
0x7: {  	[tilespmem:s2], [sflag:$0x1] =	stream.linear.gather [hbm4b:s3+s2], $0x8000, $0x38;
	[tilespmem:$0x10000] =	vst v63  }
0x8: {  	_ =	swait.ge [sflag:s4], $0x8000  }
0x9: {  	s13 =	sor.u32 $0x1000, s18;
	[sflag:s4] =	ssyncset.done $0x0  }
0xa: {  	s6 =	simm.s32 $0x8000;
	s5 =	sadd.s32 s17, s13;
	[sflag:s4] =	ssyncadd.s32 $0xFFFF8000  }
0xb: {  	[tilespmem:s6], [sflag:$0x1] =	stream.linear.gather [hbm4b:s5+s2], $0x8000, $0x38;
	[tilespmem:$0x10000] =	vst v63  }
0xc: {  	s7 =	sadd.s32 s22, s18  }
0xd: {  	[hbm4b:s7+s2] =	stream.linear.scatter [tilespmem:s2], [sflag:$0x2], $0x8000, $0x38;
	[tilespmem:$0x10000] =	vst v63  }
0xe: {  	s8 =	sadd.s32 $0x80000, s7  }
0xf: {  	[hbm4b:s8+s2] =	stream.linear.scatter [tilespmem:s2], [sflag:$0x2], $0x8000, $0x38;
	[tilespmem:$0x10000] =	vst v63  }
0x10: {  	s9 =	sadd.s32 $0x100000, s7  }
0x11: {  	[hbm4b:s9+s2] =	stream.linear.scatter [tilespmem:s2], [sflag:$0x2], $0x8000, $0x38;
	[tilespmem:$0x10000] =	vst v63  }
0x12: {  	s10 =	sadd.s32 $0x180000, s7  }
0x13: {  	[hbm4b:s10+s2] =	stream.linear.scatter [tilespmem:s2], [sflag:$0x2], $0x8000, $0x38;
	[tilespmem:$0x10000] =	vst v63  }
0x14: {  	_ =	swait.ge [sflag:s4], $0x8000  }
0x15: {  	[sflag:s4] =	ssyncset.done $0x0  }
0x16: {  	s11 =	simm.s32 $0x2;
	[sflag:s4] =	ssyncadd.s32 $0xFFFF8000  }
0x17: {  	_ =	swait.ge [sflag:s11], $0x8000  }
0x18: {  	[sflag:s11] =	ssyncset.done $0x0  }
0x19: {  	[sflag:s11] =	ssyncadd.s32 $0xFFFF8000  }
0x1a: {  	_ =	swait.ge [sflag:s11], $0x8000  }
0x1b: {  	[sflag:s11] =	ssyncset.done $0x0  }
0x1c: {  	[sflag:s11] =	ssyncadd.s32 $0xFFFF8000  }
0x1d: {  	_ =	swait.ge [sflag:s11], $0x8000  }
0x1e: {  	[sflag:s11] =	ssyncset.done $0x0  }
0x1f: {  	[sflag:s11] =	ssyncadd.s32 $0xFFFF8000  }
0x20: {  	_ =	swait.ge [sflag:s11], $0x8000  }
0x21: {  	s19 =	sor.u32 $0x2000, s18;
	[sflag:s11] =	ssyncset.done $0x0  }
0x22: {  	s12 =	sadd.s32 s17, s19;
	[sflag:s11] =	ssyncadd.s32 $0xFFFF8000  }
0x23: {  	[tilespmem:s2], [sflag:$0x1] =	stream.linear.gather [hbm4b:s12+s2], $0x8000, $0x38;
	[tilespmem:$0x10000] =	vst v63  }
0x24: {  	s13 =	sadd.s32 s22, s13  }
0x25: {  	[hbm4b:s13+s2] =	stream.linear.scatter [tilespmem:s6], [sflag:$0x2], $0x8000, $0x38;
	[tilespmem:$0x10000] =	vst v63  }
0x26: {  	s14 =	sadd.s32 $0x81000, s7  }
0x27: {  	[hbm4b:s14+s2] =	stream.linear.scatter [tilespmem:s6], [sflag:$0x2], $0x8000, $0x38;
	[tilespmem:$0x10000] =	vst v63  }
0x28: {  	s15 =	sadd.s32 $0x101000, s7  }
0x29: {  	[hbm4b:s15+s2] =	stream.linear.scatter [tilespmem:s6], [sflag:$0x2], $0x8000, $0x38;
	[tilespmem:$0x10000] =	vst v63  }
0x2a: {  	s16 =	sadd.s32 $0x181000, s7  }
0x2b: {  	[hbm4b:s16+s2] =	stream.linear.scatter [tilespmem:s6], [sflag:$0x2], $0x8000, $0x38;
	[tilespmem:$0x10000] =	vst v63  }
0x2c: {  	_ =	swait.ge [sflag:s4], $0x8000  }
0x2d: {  	[sflag:s4] =	ssyncset.done $0x0  }
0x2e: {  	[sflag:s4] =	ssyncadd.s32 $0xFFFF8000  }
0x2f: {  	_ =	swait.ge [sflag:s11], $0x8000  }
0x30: {  	[sflag:s11] =	ssyncset.done $0x0  }
0x31: {  	[sflag:s11] =	ssyncadd.s32 $0xFFFF8000  }
0x32: {  	_ =	swait.ge [sflag:s11], $0x8000  }
0x33: {  	[sflag:s11] =	ssyncset.done $0x0  }
0x34: {  	[sflag:s11] =	ssyncadd.s32 $0xFFFF8000  }
0x35: {  	_ =	swait.ge [sflag:s11], $0x8000  }
0x36: {  	[sflag:s11] =	ssyncset.done $0x0  }
0x37: {  	[sflag:s11] =	ssyncadd.s32 $0xFFFF8000  }
0x38: {  	_ =	swait.ge [sflag:s11], $0x8000  }
0x39: {  	s23 =	sor.u32 $0x3000, s18;
	[sflag:s11] =	ssyncset.done $0x0  }
0x3a: {  	s17 =	sadd.s32 s17, s23;
	[sflag:s11] =	ssyncadd.s32 $0xFFFF8000  }
0x3b: {  	[tilespmem:s6], [sflag:$0x1] =	stream.linear.gather [hbm4b:s17+s2], $0x8000, $0x38;
	[tilespmem:$0x10000] =	vst v63  }
0x3c: {  	s18 =	sadd.s32 s22, s19  }
0x3d: {  	[hbm4b:s18+s2] =	stream.linear.scatter [tilespmem:s2], [sflag:$0x2], $0x8000, $0x38;
	[tilespmem:$0x10000] =	vst v63  }
0x3e: {  	s19 =	sadd.s32 $0x82000, s7  }
0x3f: {  	[hbm4b:s19+s2] =	stream.linear.scatter [tilespmem:s2], [sflag:$0x2], $0x8000, $0x38;
	[tilespmem:$0x10000] =	vst v63  }
0x40: {  	s20 =	sadd.s32 $0x102000, s7  }
0x41: {  	[hbm4b:s20+s2] =	stream.linear.scatter [tilespmem:s2], [sflag:$0x2], $0x8000, $0x38;
	[tilespmem:$0x10000] =	vst v63  }
0x42: {  	s21 =	sadd.s32 $0x182000, s7  }
0x43: {  	[hbm4b:s21+s2] =	stream.linear.scatter [tilespmem:s2], [sflag:$0x2], $0x8000, $0x38;
	[tilespmem:$0x10000] =	vst v63  }
0x44: {  	_ =	swait.ge [sflag:s4], $0x8000  }
0x45: {  	[sflag:s4] =	ssyncset.done $0x0  }
0x46: {  	[sflag:s4] =	ssyncadd.s32 $0xFFFF8000  }
0x47: {  	_ =	swait.ge [sflag:s11], $0x8000  }
0x48: {  	[sflag:s11] =	ssyncset.done $0x0  }
0x49: {  	[sflag:s11] =	ssyncadd.s32 $0xFFFF8000  }
0x4a: {  	_ =	swait.ge [sflag:s11], $0x8000  }
0x4b: {  	[sflag:s11] =	ssyncset.done $0x0  }
0x4c: {  	[sflag:s11] =	ssyncadd.s32 $0xFFFF8000  }
0x4d: {  	_ =	swait.ge [sflag:s11], $0x8000  }
0x4e: {  	[sflag:s11] =	ssyncset.done $0x0  }
0x4f: {  	[sflag:s11] =	ssyncadd.s32 $0xFFFF8000  }
0x50: {  	_ =	swait.ge [sflag:s11], $0x8000  }
0x51: {  	[sflag:s11] =	ssyncset.done $0x0  }
0x52: {  	s22 =	sadd.s32 s22, s23;
	[sflag:s11] =	ssyncadd.s32 $0xFFFF8000  }
0x53: {  	[hbm4b:s22+s2] =	stream.linear.scatter [tilespmem:s6], [sflag:$0x2], $0x8000, $0x38;
	[tilespmem:$0x10000] =	vst v63  }
0x54: {  	s23 =	sadd.s32 $0x83000, s7  }
0x55: {  	[hbm4b:s23+s2] =	stream.linear.scatter [tilespmem:s6], [sflag:$0x2], $0x8000, $0x38;
	[tilespmem:$0x10000] =	vst v63  }
0x56: {  	s24 =	sadd.s32 $0x103000, s7  }
0x57: {  	[hbm4b:s24+s2] =	stream.linear.scatter [tilespmem:s6], [sflag:$0x2], $0x8000, $0x38;
	[tilespmem:$0x10000] =	vst v63  }
0x58: {  	s25 =	sadd.s32 $0x183000, s7  }
0x59: {  	[hbm4b:s25+s2] =	stream.linear.scatter [tilespmem:s6], [sflag:$0x2], $0x8000, $0x38;
	[tilespmem:$0x10000] =	vst v63  }
0x5a: {  	_ =	swait.ge [sflag:s11], $0x8000  }
0x5b: {  	s26 =	ssub.s32 $0x2, s26;
	[sflag:s11] =	ssyncset.done $0x0  }
0x5c: {  	s28 =	sshrl.u32 s26, $0x1;
	[sflag:s11] =	ssyncadd.s32 $0xFFFF8000  }
0x5d: {  	s26 =	ssub.s32 s26, s28;
	_ =	swait.ge [sflag:s11], $0x8000  }
0x5e: {  	s26 =	smax.u32 s26, $0x1;
	[sflag:s11] =	ssyncset.done $0x0  }
0x5f: {  	p0 =	sne.s32 s26, $0x1;
	[sflag:s11] =	ssyncadd.s32 $0xFFFF8000  }
.Ltmp0:
0x60: {  	_ =	swait.ge [sflag:s11], $0x8000;
	(pc) =	sbr.rel @!p0 .LBB2_2-.Ltmp0, $4  }
0x61: {  	[sflag:s11] =	ssyncset.done $0x0  }
0x62: {  	[sflag:s11] =	ssyncadd.s32 $0xFFFF8000  }
0x63: {  	_ =	swait.ge [sflag:s11], $0x8000  }
0x64: {  	s26 =	sadd.s32 $0xFFFFFFFF, s26;
	[sflag:s11] =	ssyncset.done $0x0  }
.LBB2_1:
0x65: {  	p0 =	sne.s32 s26, $0x1;
	s26 =	sadd.s32 $0xFFFFFFFF, s26;
	[sflag:s11] =	ssyncadd.s32 $0xFFFF8000  }
0x66: {  	[tilespmem:s2], [sflag:$0x1] =	stream.linear.gather [hbm4b:s3+s2], $0x8000, $0x38;
	[tilespmem:$0x10000] =	vst v63  }
0x67: {  	_ =	swait.ge [sflag:s4], $0x8000  }
0x68: {  	[sflag:s4] =	ssyncset.done $0x0  }
0x69: {  	[sflag:s4] =	ssyncadd.s32 $0xFFFF8000  }
0x6a: {  	[tilespmem:s6], [sflag:$0x1] =	stream.linear.gather [hbm4b:s5+s2], $0x8000, $0x38;
	[tilespmem:$0x10000] =	vst v63  }
0x6b: {  	_ = 	snop  }
0x6c: {  	[hbm4b:s7+s2] =	stream.linear.scatter [tilespmem:s2], [sflag:$0x2], $0x8000, $0x38;
	[tilespmem:$0x10000] =	vst v63  }
0x6d: {  	_ = 	snop  }
0x6e: {  	[hbm4b:s8+s2] =	stream.linear.scatter [tilespmem:s2], [sflag:$0x2], $0x8000, $0x38;
	[tilespmem:$0x10000] =	vst v63  }
0x6f: {  	_ = 	snop  }
0x70: {  	[hbm4b:s9+s2] =	stream.linear.scatter [tilespmem:s2], [sflag:$0x2], $0x8000, $0x38;
	[tilespmem:$0x10000] =	vst v63  }
0x71: {  	_ = 	snop  }
0x72: {  	[hbm4b:s10+s2] =	stream.linear.scatter [tilespmem:s2], [sflag:$0x2], $0x8000, $0x38;
	[tilespmem:$0x10000] =	vst v63  }
0x73: {  	_ =	swait.ge [sflag:s4], $0x8000  }
0x74: {  	[sflag:s4] =	ssyncset.done $0x0  }
0x75: {  	[sflag:s4] =	ssyncadd.s32 $0xFFFF8000  }
0x76: {  	_ =	swait.ge [sflag:s11], $0x8000  }
0x77: {  	[sflag:s11] =	ssyncset.done $0x0  }
0x78: {  	[sflag:s11] =	ssyncadd.s32 $0xFFFF8000  }
0x79: {  	_ =	swait.ge [sflag:s11], $0x8000  }
0x7a: {  	[sflag:s11] =	ssyncset.done $0x0  }
0x7b: {  	[sflag:s11] =	ssyncadd.s32 $0xFFFF8000  }
0x7c: {  	_ =	swait.ge [sflag:s11], $0x8000  }
0x7d: {  	[sflag:s11] =	ssyncset.done $0x0  }
0x7e: {  	[sflag:s11] =	ssyncadd.s32 $0xFFFF8000  }
0x7f: {  	_ =	swait.ge [sflag:s11], $0x8000  }
0x80: {  	[sflag:s11] =	ssyncset.done $0x0  }
0x81: {  	[sflag:s11] =	ssyncadd.s32 $0xFFFF8000  }
0x82: {  	[tilespmem:s2], [sflag:$0x1] =	stream.linear.gather [hbm4b:s12+s2], $0x8000, $0x38;
	[tilespmem:$0x10000] =	vst v63  }
0x83: {  	_ = 	snop  }
0x84: {  	[hbm4b:s13+s2] =	stream.linear.scatter [tilespmem:s6], [sflag:$0x2], $0x8000, $0x38;
	[tilespmem:$0x10000] =	vst v63  }
0x85: {  	_ = 	snop  }
0x86: {  	[hbm4b:s14+s2] =	stream.linear.scatter [tilespmem:s6], [sflag:$0x2], $0x8000, $0x38;
	[tilespmem:$0x10000] =	vst v63  }
0x87: {  	_ = 	snop  }
0x88: {  	[hbm4b:s15+s2] =	stream.linear.scatter [tilespmem:s6], [sflag:$0x2], $0x8000, $0x38;
	[tilespmem:$0x10000] =	vst v63  }
0x89: {  	_ = 	snop  }
0x8a: {  	[hbm4b:s16+s2] =	stream.linear.scatter [tilespmem:s6], [sflag:$0x2], $0x8000, $0x38;
	[tilespmem:$0x10000] =	vst v63  }
0x8b: {  	_ =	swait.ge [sflag:s4], $0x8000  }
0x8c: {  	[sflag:s4] =	ssyncset.done $0x0  }
0x8d: {  	[sflag:s4] =	ssyncadd.s32 $0xFFFF8000  }
0x8e: {  	_ =	swait.ge [sflag:s11], $0x8000  }
0x8f: {  	[sflag:s11] =	ssyncset.done $0x0  }
0x90: {  	[sflag:s11] =	ssyncadd.s32 $0xFFFF8000  }
0x91: {  	_ =	swait.ge [sflag:s11], $0x8000  }
0x92: {  	[sflag:s11] =	ssyncset.done $0x0  }
0x93: {  	[sflag:s11] =	ssyncadd.s32 $0xFFFF8000  }
0x94: {  	_ =	swait.ge [sflag:s11], $0x8000  }
0x95: {  	[sflag:s11] =	ssyncset.done $0x0  }
0x96: {  	[sflag:s11] =	ssyncadd.s32 $0xFFFF8000  }
0x97: {  	_ =	swait.ge [sflag:s11], $0x8000  }
0x98: {  	[sflag:s11] =	ssyncset.done $0x0  }
0x99: {  	[sflag:s11] =	ssyncadd.s32 $0xFFFF8000  }
0x9a: {  	[tilespmem:s6], [sflag:$0x1] =	stream.linear.gather [hbm4b:s17+s2], $0x8000, $0x38;
	[tilespmem:$0x10000] =	vst v63  }
0x9b: {  	_ = 	snop  }
0x9c: {  	[hbm4b:s18+s2] =	stream.linear.scatter [tilespmem:s2], [sflag:$0x2], $0x8000, $0x38;
	[tilespmem:$0x10000] =	vst v63  }
0x9d: {  	_ = 	snop  }
0x9e: {  	[hbm4b:s19+s2] =	stream.linear.scatter [tilespmem:s2], [sflag:$0x2], $0x8000, $0x38;
	[tilespmem:$0x10000] =	vst v63  }
0x9f: {  	_ = 	snop  }
0xa0: {  	[hbm4b:s20+s2] =	stream.linear.scatter [tilespmem:s2], [sflag:$0x2], $0x8000, $0x38;
	[tilespmem:$0x10000] =	vst v63  }
0xa1: {  	_ = 	snop  }
0xa2: {  	[hbm4b:s21+s2] =	stream.linear.scatter [tilespmem:s2], [sflag:$0x2], $0x8000, $0x38;
	[tilespmem:$0x10000] =	vst v63  }
0xa3: {  	_ =	swait.ge [sflag:s4], $0x8000  }
0xa4: {  	[sflag:s4] =	ssyncset.done $0x0  }
0xa5: {  	[sflag:s4] =	ssyncadd.s32 $0xFFFF8000  }
0xa6: {  	_ =	swait.ge [sflag:s11], $0x8000  }
0xa7: {  	[sflag:s11] =	ssyncset.done $0x0  }
0xa8: {  	[sflag:s11] =	ssyncadd.s32 $0xFFFF8000  }
0xa9: {  	_ =	swait.ge [sflag:s11], $0x8000  }
0xaa: {  	[sflag:s11] =	ssyncset.done $0x0  }
0xab: {  	[sflag:s11] =	ssyncadd.s32 $0xFFFF8000  }
0xac: {  	_ =	swait.ge [sflag:s11], $0x8000  }
0xad: {  	[sflag:s11] =	ssyncset.done $0x0  }
0xae: {  	[sflag:s11] =	ssyncadd.s32 $0xFFFF8000  }
0xaf: {  	_ =	swait.ge [sflag:s11], $0x8000  }
0xb0: {  	[sflag:s11] =	ssyncset.done $0x0  }
0xb1: {  	[sflag:s11] =	ssyncadd.s32 $0xFFFF8000  }
0xb2: {  	[hbm4b:s22+s2] =	stream.linear.scatter [tilespmem:s6], [sflag:$0x2], $0x8000, $0x38;
	[tilespmem:$0x10000] =	vst v63  }
0xb3: {  	_ = 	snop  }
0xb4: {  	[hbm4b:s23+s2] =	stream.linear.scatter [tilespmem:s6], [sflag:$0x2], $0x8000, $0x38;
	[tilespmem:$0x10000] =	vst v63  }
0xb5: {  	_ = 	snop  }
0xb6: {  	[hbm4b:s24+s2] =	stream.linear.scatter [tilespmem:s6], [sflag:$0x2], $0x8000, $0x38;
	[tilespmem:$0x10000] =	vst v63  }
0xb7: {  	_ = 	snop  }
0xb8: {  	[hbm4b:s25+s2] =	stream.linear.scatter [tilespmem:s6], [sflag:$0x2], $0x8000, $0x38;
	[tilespmem:$0x10000] =	vst v63  }
0xb9: {  	_ =	swait.ge [sflag:s11], $0x8000  }
0xba: {  	[sflag:s11] =	ssyncset.done $0x0  }
0xbb: {  	[sflag:s11] =	ssyncadd.s32 $0xFFFF8000  }
0xbc: {  	_ =	swait.ge [sflag:s11], $0x8000  }
0xbd: {  	[sflag:s11] =	ssyncset.done $0x0  }
0xbe: {  	[sflag:s11] =	ssyncadd.s32 $0xFFFF8000  }
.Ltmp1:
0xbf: {  	_ =	swait.ge [sflag:s11], $0x8000;
	(pc) =	sbr.rel @p0 .LBB2_1-.Ltmp1, $4  }
0xc0: {  	[sflag:s11] =	ssyncset.done $0x0  }
0xc1: {  	[sflag:s11] =	ssyncadd.s32 $0xFFFF8000  }
0xc2: {  	_ =	swait.ge [sflag:s11], $0x8000  }
0xc3: {  	[sflag:s11] =	ssyncset.done $0x0  }
.LBB2_2:
0xc4: {  	[sflag:s11] =	ssyncadd.s32 $0xFFFF8000  }
0xc5: {  	_ =	sfence.sel $0x180000  }
0xc6: {  	[bflag:$0x0] =	sbarrier.arrive $0xFFFF  }
0xc7: {  	p0 =	sne.s32 s1, $0x0;
	_ =	strace $0x90000047  }
0xc8: {  	s0 =	sadd.s32 @!p0 $0x100000, s0;
	[bflag:$0x2] =	sbarrier.arrive $0xFFFF  }
0xc9: {  	[sflag:s0] =	ssyncadd.tile.s32 @!p0 $0x1;
	_ =	shalt  }
.Lfunc_end2:
_tile_overlayer_lowered:
.L_overlay_start_2:
0xca: {  	(tag) =	ssettag $0x2  }
0xcb: {  	s0 =	rddreg [dreg:$0x0];
	s2 =	stileid.u32  }
0xcc: {  	s1 =	rddreg [dreg:$0x1];
	p0 =	sne.s32 s2, $0x0  }
0xcd: {  	s3 =	rddreg [dreg:$0x2];
	[bflag:$0x3] =	sbarrier.arrive $0xFFFF;
	s2 =	simm.s32 @!p0 $0x1C03  }
0xce: {  	[timem:s3], [sflag:s2] =	dma.local @!p0 [hbm:s0], s1  }
0xcf: {  	s0 =	simm.s32 @!p0 $0x3  }
0xd0: {  	_ =	swait.ge @!p0 [sflag:s0], s1  }
0xd1: {  	s1 =	ssub.s32 @!p0 $0x0, s1;
	[sflag:s0] =	ssyncset.done @!p0 $0x0  }
0xd2: {  	[sflag:s0] =	ssyncadd.s32 @!p0 s1  }
0xd3: {  	[bflag:$0x3] =	sbarrier.arrive $0xFFFF  }
0xd4: {  	_ =	shalt  }

</sc_bundles>
